<compile_context>
chip_gen: v7x
topology: tpu7x:2x2x1
jax: 0.10.2.dev20260603
libtpu: 0.0.44.dev20260713+nightly
codegen_flags: <defaults>
</compile_context>

<pallas_src>
import functools

import jax
import jax.numpy as jnp
import numpy as np
from jax import lax
from jax.experimental import pallas as pl
from jax.experimental.pallas import tpu as pltpu
from jax.experimental.pallas import tpu_sc as plsc

_SEQ = 512
_ANS = 8
_B = 4
_C = 384
_P = 4068
_PPAD = 4080
_NCHUNK = _PPAD // 16
_NFULL = 4032 // 16


def _tail_row():
    r = np.arange(_SEQ)
    d = r[None, :] - r[:, None]
    m = (d >= 0) & (d < _ANS)
    si, ei = np.nonzero(m)
    row = np.zeros((_SEQ,), np.int32)
    row[: _P - 4032] = si[4032:]
    row[48 : 48 + _P - 4032] = ei[4032:]
    return jnp.asarray(row.view(np.float32)).reshape(1, _SEQ)


def _proj_body(emb_ref, tt_ref, am_ref, w_ref, b_ref, tbl_ref, out_ref):
    emb = emb_ref[...]
    w = w_ref[...]
    mask = (tt_ref[...] * am_ref[...]).astype(jnp.float32)
    pen = -1e7 * (1.0 - mask)
    S = jnp.sum(emb[:, :, :_C] * w[None, :, :], axis=-1) + b_ref[0, 0] + pen
    E = jnp.sum(emb[:, :, _C:] * w[None, :, :], axis=-1) + pen
    out_ref[...] = jnp.concatenate(
        [S, E, tbl_ref[...], jnp.zeros((7, _SEQ), jnp.float32)], axis=0)


def _sc_body(sem_hbm, out_hbm, tab, ebuf):
    s = lax.axis_index("s")
    row = s
    pltpu.sync_copy(sem_hbm, tab)
    lane = lax.iota(jnp.int32, 16)
    dconst = lane & 7
    sbase = lax.shift_right_logical(lane, 3)
    two = jnp.full((16,), 2, jnp.int32)
    srow_id = jnp.broadcast_to(row % 4, (16,))
    erow_id = jnp.broadcast_to(4 + row // 4, (16,))

    def bodyA(k, carry):
        acc, sidx = carry
        sv = plsc.load_gather(tab, [srow_id, sidx])
        ev = plsc.load_gather(tab, [erow_id, sidx + dconst])
        ex = jnp.exp(sv + ev)
        ebuf[pl.ds(k * 16, 16)] = ex
        return acc + ex, sidx + two

    acc, _ = lax.fori_loop(
        0, _NFULL, bodyA,
        (jnp.zeros((16,), jnp.float32), sbase), unroll=28)
    for kk in range(3):
        sidx = plsc.bitcast(tab[8, pl.ds(kk * 16, 16)], jnp.int32)
        eidx = plsc.bitcast(tab[8, pl.ds(48 + kk * 16, 16)], jnp.int32)
        sv = plsc.load_gather(tab, [srow_id, sidx])
        ev = plsc.load_gather(tab, [erow_id, eidx])
        ex = jnp.exp(sv + ev)
        base = 4032 + kk * 16
        ex = jnp.where(base + lane < _P, ex, 0.0)
        ebuf[pl.ds(base, 16)] = ex
        acc = acc + ex
    ssum = jnp.sum(acc)
    rinv = (jnp.full((16,), 1.0, jnp.float32)
            / jnp.broadcast_to(ssum, (16,)))

    def bodyB(k, carry):
        ebuf[pl.ds(k * 16, 16)] = ebuf[pl.ds(k * 16, 16)] * rinv
        return carry

    lax.fori_loop(0, _NCHUNK, bodyB, 0, unroll=15)
    pltpu.sync_copy(ebuf, out_hbm.at[row])


_sc_call = functools.partial(
    pl.kernel,
    mesh=plsc.VectorSubcoreMesh(core_axis_name="c", subcore_axis_name="s",
                                num_cores=1),
    compiler_params=pltpu.CompilerParams(needs_layout_passes=False),
    out_type=jax.ShapeDtypeStruct((16, _PPAD), jnp.float32),
    scratch_types=[
        pltpu.VMEM((16, _SEQ), jnp.float32),
        pltpu.VMEM((_PPAD,), jnp.float32),
    ],
)(_sc_body)


def kernel(embeddings, token_type_ids, attention_mask, W, b):
    tt = token_type_ids.reshape(1, _SEQ)
    am = attention_mask.reshape(1, _SEQ)
    wr = W.reshape(1, _C)
    br = b.reshape(1, 1)
    sem = pl.pallas_call(
        _proj_body,
        out_shape=jax.ShapeDtypeStruct((16, _SEQ), jnp.float32),
    )(embeddings, tt, am, wr, br, _tail_row())
    out = _sc_call(sem)
    return out[:, :_P].reshape(_B, _B, _P)

# --- scband reference (transcript-rebuilt; emitter-appended) ---
"""Pipeline reference for scband-pointer2-d-53463752901434 (READ-ONLY COPY).

The authoritative reference and input builder live on the scoring server;
editing this copy changes nothing except your own understanding.
"""

import jax, jax.numpy as jnp
import numpy as np

MAX_SEQ = 512
MAX_ANS = 8
B = 4
D = 768
C = D // 2


def _pair_indices(L, A):
    r = np.arange(L)
    d = r[None, :] - r[:, None]
    m = (d >= 0) & (d < A)
    si, ei = np.nonzero(m)
    return jnp.asarray(si.astype(np.int32)), jnp.asarray(ei.astype(np.int32))


def setup_inputs(seed: int = 0):
    key = jax.random.key(seed)
    k1, k2, k3 = jax.random.split(key, 3)
    embeddings = jax.random.normal(k1, (B, MAX_SEQ, D), dtype=jnp.float32)
    token_type_ids = jax.random.randint(k2, (MAX_SEQ,), 0, 2, dtype=jnp.int32)
    attention_mask = jnp.ones((MAX_SEQ,), dtype=jnp.int32)
    W = jax.random.normal(k3, (C, 1), dtype=jnp.float32) * 0.02
    b = jnp.zeros((1,), dtype=jnp.float32)
    return {"embeddings": embeddings, "token_type_ids": token_type_ids, "attention_mask": attention_mask, "W": W, "b": b}


def reference(embeddings, token_type_ids, attention_mask, W, b):
    si, ei = _pair_indices(MAX_SEQ, MAX_ANS)
    mask = token_type_ids.astype(embeddings.dtype) * attention_mask.astype(embeddings.dtype)
    start, end = jnp.split(embeddings, 2, axis=-1)
    _start = jnp.take(start, si, axis=1)            # [B, P, C]
    end_idx = ei[None, :]                            # [1, P] (replicates TF tuple-index behavior)
    _end = jnp.take(end, end_idx, axis=1)            # [B, 1, P, C]
    states = _start + _end                           # broadcasts to [B, B, P, C] as in TF
    logits = jnp.squeeze(jnp.matmul(states, W) + b, -1)  # [B, B, P]
    _start_mask = jnp.take(mask, si, axis=0)         # [P]
    _end_mask = jnp.take(mask, end_idx, axis=0)      # [1, P]
    _mask = _start_mask * _end_mask                  # [1, P]
    logits = logits - 10000000.0 * (1.0 - _mask)
    return jax.nn.softmax(logits, axis=-1)

if __name__ == "__main__":
    import jax
    _d = setup_inputs()
    print(jax.jit(kernel)(*tuple(_d.values())))

</pallas_src>

<mosaic_0001>
#map = affine_map<(d0, d1) -> (0, 0)>
module attributes {stable_mosaic.version = 14 : i64} {
  func.func @_sc_body(%arg0: i32, %arg1: i32, %arg2: memref<16x512xf32, #tpu.memory_space<hbm>>, %arg3: memref<16x4080xf32, #tpu.memory_space<hbm>>, %arg4: memref<16x512xf32, #tpu.memory_space<vmem>>, %arg5: memref<4080xf32, #tpu.memory_space<vmem>>) attributes {dimension_semantics = [#tpu.dimension_semantics<core_parallel>, #tpu.dimension_semantics<subcore_parallel>], iteration_bounds = array<i64: 1, 16>, scalar_prefetch = 0 : i64, scratch_operands = 2 : i64, tpu.core_type = #tpu.core_type<sc_vector_subcore>, window_params = [{transform_indices = #map}, {transform_indices = #map}]} {
    "tpu.region"() ({
      %run_scoped3A = tpu.sem_alloc : memref<!tpu.dma_semaphore, #tpu.memory_space<semaphore_mem>>
      tpu.enqueue_dma source(%arg2 : memref<16x512xf32, #tpu.memory_space<hbm>>) target(%arg4 : memref<16x512xf32, #tpu.memory_space<vmem>>) target_semaphore(%run_scoped3A : memref<!tpu.dma_semaphore, #tpu.memory_space<semaphore_mem>>)
      tpu.wait_dma2 semaphore(%run_scoped3A : memref<!tpu.dma_semaphore, #tpu.memory_space<semaphore_mem>>) src(%arg2 : memref<16x512xf32, #tpu.memory_space<hbm>>) dst(%arg4 : memref<16x512xf32, #tpu.memory_space<vmem>>)
      tpu.yield
    }) : () -> ()
    %iota3A = tpu.iota {dimensions = array<i32: 0>} : vector<16xi32>
    %and3A = arith.constant 7 : i32
    %and3A_0 = vector.broadcast %and3A : i32 to vector<16xi32>
    %and3A_1 = arith.andi %iota3A, %and3A_0 : vector<16xi32>
    %shift_right_logical3A = arith.constant 3 : i32
    %shift_right_logical3A_2 = vector.broadcast %shift_right_logical3A : i32 to vector<16xi32>
    %shift_right_logical3A_3 = arith.shrui %iota3A, %shift_right_logical3A_2 : vector<16xi32>
    %broadcast_in_dim3A = arith.constant 2 : i32
    %broadcast_in_dim3A_4 = vector.broadcast %broadcast_in_dim3A : i32 to vector<16xi32>
    %jit3A = arith.constant 4 : i32
    %eq3A = arith.constant 0 : i32
    %eq3A_5 = arith.cmpi eq, %jit3A, %eq3A : i32
    %jit3A_6 = arith.constant 1 : i32
    %select_n3A = arith.select %eq3A_5, %jit3A_6, %jit3A : i32
    %rem3A = arith.remsi %arg1, %select_n3A : i32
    %ne3A = arith.constant 0 : i32
    %ne3A_7 = arith.cmpi ne, %rem3A, %ne3A : i32
    %lt3A = arith.constant 0 : i32
    %lt3A_8 = arith.cmpi slt, %rem3A, %lt3A : i32
    %lt3A_9 = arith.constant 0 : i32
    %lt3A_10 = arith.cmpi slt, %select_n3A, %lt3A_9 : i32
    %ne3A_11 = arith.xori %lt3A_8, %lt3A_10 : i1
    %and3A_12 = arith.andi %ne3A_11, %ne3A_7 : i1
    %add3A = arith.addi %rem3A, %select_n3A : i32
    %select_n3A_13 = arith.select %and3A_12, %add3A, %rem3A : i32
    %broadcast_in_dim3A_14 = vector.broadcast %select_n3A_13 : i32 to vector<16xi32>
    %jit3A_15 = arith.constant 4 : i32
    %div3A = arith.divsi %arg1, %jit3A_15 : i32
    %sign3A = arith.constant 0 : i32
    %sign3A_16 = arith.cmpi sgt, %arg1, %sign3A : i32
    %sign3A_17 = arith.extui %sign3A_16 : i1 to i32
    %sign3A_18 = arith.constant 0 : i32
    %sign3A_19 = arith.cmpi slt, %arg1, %sign3A_18 : i32
    %sign3A_20 = arith.extui %sign3A_19 : i1 to i32
    %sign3A_21 = arith.subi %sign3A_17, %sign3A_20 : i32
    %sign3A_22 = arith.constant 0 : i32
    %sign3A_23 = arith.cmpi sgt, %jit3A_15, %sign3A_22 : i32
    %sign3A_24 = arith.extui %sign3A_23 : i1 to i32
    %sign3A_25 = arith.constant 0 : i32
    %sign3A_26 = arith.cmpi slt, %jit3A_15, %sign3A_25 : i32
    %sign3A_27 = arith.extui %sign3A_26 : i1 to i32
    %sign3A_28 = arith.subi %sign3A_24, %sign3A_27 : i32
    %ne3A_29 = arith.cmpi ne, %sign3A_21, %sign3A_28 : i32
    %rem3A_30 = arith.remsi %arg1, %jit3A_15 : i32
    %ne3A_31 = arith.constant 0 : i32
    %ne3A_32 = arith.cmpi ne, %rem3A_30, %ne3A_31 : i32
    %and3A_33 = arith.andi %ne3A_29, %ne3A_32 : i1
    %sub3A = arith.constant 1 : i32
    %sub3A_34 = arith.subi %div3A, %sub3A : i32
    %select_n3A_35 = arith.select %and3A_33, %sub3A_34, %div3A : i32
    %add3A_36 = arith.constant 4 : i32
    %add3A_37 = arith.addi %add3A_36, %select_n3A_35 : i32
    %broadcast_in_dim3A_38 = vector.broadcast %add3A_37 : i32 to vector<16xi32>
    %broadcast_in_dim3A_39 = arith.constant 0.000000e+00 : f32
    %broadcast_in_dim3A_40 = vector.broadcast %broadcast_in_dim3A_39 : f32 to vector<16xf32>
    %scan3A = arith.constant 0 : i32
    %scan3A_41 = arith.constant 252 : i32
    %scan3A_42 = arith.addi %scan3A, %scan3A_41 : i32
    %scan3A_43 = arith.constant 28 : i32
    %scan3A_44:2 = scf.for %scan3A_132 = %scan3A to %scan3A_42 step %scan3A_43 iter_args(%scan3A_133 = %broadcast_in_dim3A_40, %scan3A_134 = %shift_right_logical3A_3) -> (vector<16xf32>, vector<16xi32>)  : i32 {
      %gather3A_135 = tpu.vector_load_idx %arg4[%broadcast_in_dim3A_14, %scan3A_134] : memref<16x512xf32, #tpu.memory_space<vmem>>[vector<16xi32>, vector<16xi32>], vector<16xf32>,
      %add3A_136 = arith.addi %scan3A_134, %and3A_1 : vector<16xi32>
      %gather3A_137 = tpu.vector_load_idx %arg4[%broadcast_in_dim3A_38, %add3A_136] : memref<16x512xf32, #tpu.memory_space<vmem>>[vector<16xi32>, vector<16xi32>], vector<16xf32>,
      %add3A_138 = arith.addf %gather3A_135, %gather3A_137 : vector<16xf32>
      %exp3A_139 = math.exp %add3A_138 : vector<16xf32>
      %mul3A = arith.constant 16 : i32
      %mul3A_140 = arith.muli %scan3A_132, %mul3A : i32
      %swap3A_141 = arith.index_cast %mul3A_140 : i32 to index
      %swap3A_142 = tpu.vector_load %arg5[%swap3A_141] {strides = array<i32>} : memref<4080xf32, #tpu.memory_space<vmem>>, vector<16xf32>,
      tpu.vector_store %arg5[%swap3A_141], %exp3A_139 {strides = array<i32>} : memref<4080xf32, #tpu.memory_space<vmem>>, vector<16xf32>,
      %add3A_143 = arith.addf %scan3A_133, %exp3A_139 : vector<16xf32>
      %add3A_144 = arith.addi %scan3A_134, %broadcast_in_dim3A_4 : vector<16xi32>
      %scan3A_145 = arith.constant 1 : i32
      %scan3A_146 = arith.addi %scan3A_132, %scan3A_145 : i32
      %gather3A_147 = tpu.vector_load_idx %arg4[%broadcast_in_dim3A_14, %add3A_144] : memref<16x512xf32, #tpu.memory_space<vmem>>[vector<16xi32>, vector<16xi32>], vector<16xf32>,
      %add3A_148 = arith.addi %add3A_144, %and3A_1 : vector<16xi32>
      %gather3A_149 = tpu.vector_load_idx %arg4[%broadcast_in_dim3A_38, %add3A_148] : memref<16x512xf32, #tpu.memory_space<vmem>>[vector<16xi32>, vector<16xi32>], vector<16xf32>,
      %add3A_150 = arith.addf %gather3A_147, %gather3A_149 : vector<16xf32>
      %exp3A_151 = math.exp %add3A_150 : vector<16xf32>
      %mul3A_152 = arith.constant 16 : i32
      %mul3A_153 = arith.muli %scan3A_146, %mul3A_152 : i32
      %swap3A_154 = arith.index_cast %mul3A_153 : i32 to index
      %swap3A_155 = tpu.vector_load %arg5[%swap3A_154] {strides = array<i32>} : memref<4080xf32, #tpu.memory_space<vmem>>, vector<16xf32>,
      tpu.vector_store %arg5[%swap3A_154], %exp3A_151 {strides = array<i32>} : memref<4080xf32, #tpu.memory_space<vmem>>, vector<16xf32>,
      %add3A_156 = arith.addf %add3A_143, %exp3A_151 : vector<16xf32>
      %add3A_157 = arith.addi %add3A_144, %broadcast_in_dim3A_4 : vector<16xi32>
      %scan3A_158 = arith.constant 2 : i32
      %scan3A_159 = arith.addi %scan3A_132, %scan3A_158 : i32
      %gather3A_160 = tpu.vector_load_idx %arg4[%broadcast_in_dim3A_14, %add3A_157] : memref<16x512xf32, #tpu.memory_space<vmem>>[vector<16xi32>, vector<16xi32>], vector<16xf32>,
      %add3A_161 = arith.addi %add3A_157, %and3A_1 : vector<16xi32>
      %gather3A_162 = tpu.vector_load_idx %arg4[%broadcast_in_dim3A_38, %add3A_161] : memref<16x512xf32, #tpu.memory_space<vmem>>[vector<16xi32>, vector<16xi32>], vector<16xf32>,
      %add3A_163 = arith.addf %gather3A_160, %gather3A_162 : vector<16xf32>
      %exp3A_164 = math.exp %add3A_163 : vector<16xf32>
      %mul3A_165 = arith.constant 16 : i32
      %mul3A_166 = arith.muli %scan3A_159, %mul3A_165 : i32
      %swap3A_167 = arith.index_cast %mul3A_166 : i32 to index
      %swap3A_168 = tpu.vector_load %arg5[%swap3A_167] {strides = array<i32>} : memref<4080xf32, #tpu.memory_space<vmem>>, vector<16xf32>,
      tpu.vector_store %arg5[%swap3A_167], %exp3A_164 {strides = array<i32>} : memref<4080xf32, #tpu.memory_space<vmem>>, vector<16xf32>,
      %add3A_169 = arith.addf %add3A_156, %exp3A_164 : vector<16xf32>
      %add3A_170 = arith.addi %add3A_157, %broadcast_in_dim3A_4 : vector<16xi32>
      %scan3A_171 = arith.constant 3 : i32
      %scan3A_172 = arith.addi %scan3A_132, %scan3A_171 : i32
      %gather3A_173 = tpu.vector_load_idx %arg4[%broadcast_in_dim3A_14, %add3A_170] : memref<16x512xf32, #tpu.memory_space<vmem>>[vector<16xi32>, vector<16xi32>], vector<16xf32>,
      %add3A_174 = arith.addi %add3A_170, %and3A_1 : vector<16xi32>
      %gather3A_175 = tpu.vector_load_idx %arg4[%broadcast_in_dim3A_38, %add3A_174] : memref<16x512xf32, #tpu.memory_space<vmem>>[vector<16xi32>, vector<16xi32>], vector<16xf32>,
      %add3A_176 = arith.addf %gather3A_173, %gather3A_175 : vector<16xf32>
      %exp3A_177 = math.exp %add3A_176 : vector<16xf32>
      %mul3A_178 = arith.constant 16 : i32
      %mul3A_179 = arith.muli %scan3A_172, %mul3A_178 : i32
      %swap3A_180 = arith.index_cast %mul3A_179 : i32 to index
      %swap3A_181 = tpu.vector_load %arg5[%swap3A_180] {strides = array<i32>} : memref<4080xf32, #tpu.memory_space<vmem>>, vector<16xf32>,
      tpu.vector_store %arg5[%swap3A_180], %exp3A_177 {strides = array<i32>} : memref<4080xf32, #tpu.memory_space<vmem>>, vector<16xf32>,
      %add3A_182 = arith.addf %add3A_169, %exp3A_177 : vector<16xf32>
      %add3A_183 = arith.addi %add3A_170, %broadcast_in_dim3A_4 : vector<16xi32>
      %scan3A_184 = arith.constant 4 : i32
      %scan3A_185 = arith.addi %scan3A_132, %scan3A_184 : i32
      %gather3A_186 = tpu.vector_load_idx %arg4[%broadcast_in_dim3A_14, %add3A_183] : memref<16x512xf32, #tpu.memory_space<vmem>>[vector<16xi32>, vector<16xi32>], vector<16xf32>,
      %add3A_187 = arith.addi %add3A_183, %and3A_1 : vector<16xi32>
      %gather3A_188 = tpu.vector_load_idx %arg4[%broadcast_in_dim3A_38, %add3A_187] : memref<16x512xf32, #tpu.memory_space<vmem>>[vector<16xi32>, vector<16xi32>], vector<16xf32>,
      %add3A_189 = arith.addf %gather3A_186, %gather3A_188 : vector<16xf32>
      %exp3A_190 = math.exp %add3A_189 : vector<16xf32>
      %mul3A_191 = arith.constant 16 : i32
      %mul3A_192 = arith.muli %scan3A_185, %mul3A_191 : i32
      %swap3A_193 = arith.index_cast %mul3A_192 : i32 to index
      %swap3A_194 = tpu.vector_load %arg5[%swap3A_193] {strides = array<i32>} : memref<4080xf32, #tpu.memory_space<vmem>>, vector<16xf32>,
      tpu.vector_store %arg5[%swap3A_193], %exp3A_190 {strides = array<i32>} : memref<4080xf32, #tpu.memory_space<vmem>>, vector<16xf32>,
      %add3A_195 = arith.addf %add3A_182, %exp3A_190 : vector<16xf32>
      %add3A_196 = arith.addi %add3A_183, %broadcast_in_dim3A_4 : vector<16xi32>
      %scan3A_197 = arith.constant 5 : i32
      %scan3A_198 = arith.addi %scan3A_132, %scan3A_197 : i32
      %gather3A_199 = tpu.vector_load_idx %arg4[%broadcast_in_dim3A_14, %add3A_196] : memref<16x512xf32, #tpu.memory_space<vmem>>[vector<16xi32>, vector<16xi32>], vector<16xf32>,
      %add3A_200 = arith.addi %add3A_196, %and3A_1 : vector<16xi32>
      %gather3A_201 = tpu.vector_load_idx %arg4[%broadcast_in_dim3A_38, %add3A_200] : memref<16x512xf32, #tpu.memory_space<vmem>>[vector<16xi32>, vector<16xi32>], vector<16xf32>,
      %add3A_202 = arith.addf %gather3A_199, %gather3A_201 : vector<16xf32>
      %exp3A_203 = math.exp %add3A_202 : vector<16xf32>
      %mul3A_204 = arith.constant 16 : i32
      %mul3A_205 = arith.muli %scan3A_198, %mul3A_204 : i32
      %swap3A_206 = arith.index_cast %mul3A_205 : i32 to index
      %swap3A_207 = tpu.vector_load %arg5[%swap3A_206] {strides = array<i32>} : memref<4080xf32, #tpu.memory_space<vmem>>, vector<16xf32>,
      tpu.vector_store %arg5[%swap3A_206], %exp3A_203 {strides = array<i32>} : memref<4080xf32, #tpu.memory_space<vmem>>, vector<16xf32>,
      %add3A_208 = arith.addf %add3A_195, %exp3A_203 : vector<16xf32>
      %add3A_209 = arith.addi %add3A_196, %broadcast_in_dim3A_4 : vector<16xi32>
      %scan3A_210 = arith.constant 6 : i32
      %scan3A_211 = arith.addi %scan3A_132, %scan3A_210 : i32
      %gather3A_212 = tpu.vector_load_idx %arg4[%broadcast_in_dim3A_14, %add3A_209] : memref<16x512xf32, #tpu.memory_space<vmem>>[vector<16xi32>, vector<16xi32>], vector<16xf32>,
      %add3A_213 = arith.addi %add3A_209, %and3A_1 : vector<16xi32>
      %gather3A_214 = tpu.vector_load_idx %arg4[%broadcast_in_dim3A_38, %add3A_213] : memref<16x512xf32, #tpu.memory_space<vmem>>[vector<16xi32>, vector<16xi32>], vector<16xf32>,
      %add3A_215 = arith.addf %gather3A_212, %gather3A_214 : vector<16xf32>
      %exp3A_216 = math.exp %add3A_215 : vector<16xf32>
      %mul3A_217 = arith.constant 16 : i32
      %mul3A_218 = arith.muli %scan3A_211, %mul3A_217 : i32
      %swap3A_219 = arith.index_cast %mul3A_218 : i32 to index
      %swap3A_220 = tpu.vector_load %arg5[%swap3A_219] {strides = array<i32>} : memref<4080xf32, #tpu.memory_space<vmem>>, vector<16xf32>,
      tpu.vector_store %arg5[%swap3A_219], %exp3A_216 {strides = array<i32>} : memref<4080xf32, #tpu.memory_space<vmem>>, vector<16xf32>,
      %add3A_221 = arith.addf %add3A_208, %exp3A_216 : vector<16xf32>
      %add3A_222 = arith.addi %add3A_209, %broadcast_in_dim3A_4 : vector<16xi32>
      %scan3A_223 = arith.constant 7 : i32
      %scan3A_224 = arith.addi %scan3A_132, %scan3A_223 : i32
      %gather3A_225 = tpu.vector_load_idx %arg4[%broadcast_in_dim3A_14, %add3A_222] : memref<16x512xf32, #tpu.memory_space<vmem>>[vector<16xi32>, vector<16xi32>], vector<16xf32>,
      %add3A_226 = arith.addi %add3A_222, %and3A_1 : vector<16xi32>
      %gather3A_227 = tpu.vector_load_idx %arg4[%broadcast_in_dim3A_38, %add3A_226] : memref<16x512xf32, #tpu.memory_space<vmem>>[vector<16xi32>, vector<16xi32>], vector<16xf32>,
      %add3A_228 = arith.addf %gather3A_225, %gather3A_227 : vector<16xf32>
      %exp3A_229 = math.exp %add3A_228 : vector<16xf32>
      %mul3A_230 = arith.constant 16 : i32
      %mul3A_231 = arith.muli %scan3A_224, %mul3A_230 : i32
      %swap3A_232 = arith.index_cast %mul3A_231 : i32 to index
      %swap3A_233 = tpu.vector_load %arg5[%swap3A_232] {strides = array<i32>} : memref<4080xf32, #tpu.memory_space<vmem>>, vector<16xf32>,
      tpu.vector_store %arg5[%swap3A_232], %exp3A_229 {strides = array<i32>} : memref<4080xf32, #tpu.memory_space<vmem>>, vector<16xf32>,
      %add3A_234 = arith.addf %add3A_221, %exp3A_229 : vector<16xf32>
      %add3A_235 = arith.addi %add3A_222, %broadcast_in_dim3A_4 : vector<16xi32>
      %scan3A_236 = arith.constant 8 : i32
      %scan3A_237 = arith.addi %scan3A_132, %scan3A_236 : i32
      %gather3A_238 = tpu.vector_load_idx %arg4[%broadcast_in_dim3A_14, %add3A_235] : memref<16x512xf32, #tpu.memory_space<vmem>>[vector<16xi32>, vector<16xi32>], vector<16xf32>,
      %add3A_239 = arith.addi %add3A_235, %and3A_1 : vector<16xi32>
      %gather3A_240 = tpu.vector_load_idx %arg4[%broadcast_in_dim3A_38, %add3A_239] : memref<16x512xf32, #tpu.memory_space<vmem>>[vector<16xi32>, vector<16xi32>], vector<16xf32>,
      %add3A_241 = arith.addf %gather3A_238, %gather3A_240 : vector<16xf32>
      %exp3A_242 = math.exp %add3A_241 : vector<16xf32>
      %mul3A_243 = arith.constant 16 : i32
      %mul3A_244 = arith.muli %scan3A_237, %mul3A_243 : i32
      %swap3A_245 = arith.index_cast %mul3A_244 : i32 to index
      %swap3A_246 = tpu.vector_load %arg5[%swap3A_245] {strides = array<i32>} : memref<4080xf32, #tpu.memory_space<vmem>>, vector<16xf32>,
      tpu.vector_store %arg5[%swap3A_245], %exp3A_242 {strides = array<i32>} : memref<4080xf32, #tpu.memory_space<vmem>>, vector<16xf32>,
      %add3A_247 = arith.addf %add3A_234, %exp3A_242 : vector<16xf32>
      %add3A_248 = arith.addi %add3A_235, %broadcast_in_dim3A_4 : vector<16xi32>
      %scan3A_249 = arith.constant 9 : i32
      %scan3A_250 = arith.addi %scan3A_132, %scan3A_249 : i32
      %gather3A_251 = tpu.vector_load_idx %arg4[%broadcast_in_dim3A_14, %add3A_248] : memref<16x512xf32, #tpu.memory_space<vmem>>[vector<16xi32>, vector<16xi32>], vector<16xf32>,
      %add3A_252 = arith.addi %add3A_248, %and3A_1 : vector<16xi32>
      %gather3A_253 = tpu.vector_load_idx %arg4[%broadcast_in_dim3A_38, %add3A_252] : memref<16x512xf32, #tpu.memory_space<vmem>>[vector<16xi32>, vector<16xi32>], vector<16xf32>,
      %add3A_254 = arith.addf %gather3A_251, %gather3A_253 : vector<16xf32>
      %exp3A_255 = math.exp %add3A_254 : vector<16xf32>
      %mul3A_256 = arith.constant 16 : i32
      %mul3A_257 = arith.muli %scan3A_250, %mul3A_256 : i32
      %swap3A_258 = arith.index_cast %mul3A_257 : i32 to index
      %swap3A_259 = tpu.vector_load %arg5[%swap3A_258] {strides = array<i32>} : memref<4080xf32, #tpu.memory_space<vmem>>, vector<16xf32>,
      tpu.vector_store %arg5[%swap3A_258], %exp3A_255 {strides = array<i32>} : memref<4080xf32, #tpu.memory_space<vmem>>, vector<16xf32>,
      %add3A_260 = arith.addf %add3A_247, %exp3A_255 : vector<16xf32>
      %add3A_261 = arith.addi %add3A_248, %broadcast_in_dim3A_4 : vector<16xi32>
      %scan3A_262 = arith.constant 10 : i32
      %scan3A_263 = arith.addi %scan3A_132, %scan3A_262 : i32
      %gather3A_264 = tpu.vector_load_idx %arg4[%broadcast_in_dim3A_14, %add3A_261] : memref<16x512xf32, #tpu.memory_space<vmem>>[vector<16xi32>, vector<16xi32>], vector<16xf32>,
      %add3A_265 = arith.addi %add3A_261, %and3A_1 : vector<16xi32>
      %gather3A_266 = tpu.vector_load_idx %arg4[%broadcast_in_dim3A_38, %add3A_265] : memref<16x512xf32, #tpu.memory_space<vmem>>[vector<16xi32>, vector<16xi32>], vector<16xf32>,
      %add3A_267 = arith.addf %gather3A_264, %gather3A_266 : vector<16xf32>
      %exp3A_268 = math.exp %add3A_267 : vector<16xf32>
      %mul3A_269 = arith.constant 16 : i32
      %mul3A_270 = arith.muli %scan3A_263, %mul3A_269 : i32
      %swap3A_271 = arith.index_cast %mul3A_270 : i32 to index
      %swap3A_272 = tpu.vector_load %arg5[%swap3A_271] {strides = array<i32>} : memref<4080xf32, #tpu.memory_space<vmem>>, vector<16xf32>,
      tpu.vector_store %arg5[%swap3A_271], %exp3A_268 {strides = array<i32>} : memref<4080xf32, #tpu.memory_space<vmem>>, vector<16xf32>,
      %add3A_273 = arith.addf %add3A_260, %exp3A_268 : vector<16xf32>
      %add3A_274 = arith.addi %add3A_261, %broadcast_in_dim3A_4 : vector<16xi32>
      %scan3A_275 = arith.constant 11 : i32
      %scan3A_276 = arith.addi %scan3A_132, %scan3A_275 : i32
      %gather3A_277 = tpu.vector_load_idx %arg4[%broadcast_in_dim3A_14, %add3A_274] : memref<16x512xf32, #tpu.memory_space<vmem>>[vector<16xi32>, vector<16xi32>], vector<16xf32>,
      %add3A_278 = arith.addi %add3A_274, %and3A_1 : vector<16xi32>
      %gather3A_279 = tpu.vector_load_idx %arg4[%broadcast_in_dim3A_38, %add3A_278] : memref<16x512xf32, #tpu.memory_space<vmem>>[vector<16xi32>, vector<16xi32>], vector<16xf32>,
      %add3A_280 = arith.addf %gather3A_277, %gather3A_279 : vector<16xf32>
      %exp3A_281 = math.exp %add3A_280 : vector<16xf32>
      %mul3A_282 = arith.constant 16 : i32
      %mul3A_283 = arith.muli %scan3A_276, %mul3A_282 : i32
      %swap3A_284 = arith.index_cast %mul3A_283 : i32 to index
      %swap3A_285 = tpu.vector_load %arg5[%swap3A_284] {strides = array<i32>} : memref<4080xf32, #tpu.memory_space<vmem>>, vector<16xf32>,
      tpu.vector_store %arg5[%swap3A_284], %exp3A_281 {strides = array<i32>} : memref<4080xf32, #tpu.memory_space<vmem>>, vector<16xf32>,
      %add3A_286 = arith.addf %add3A_273, %exp3A_281 : vector<16xf32>
      %add3A_287 = arith.addi %add3A_274, %broadcast_in_dim3A_4 : vector<16xi32>
      %scan3A_288 = arith.constant 12 : i32
      %scan3A_289 = arith.addi %scan3A_132, %scan3A_288 : i32
      %gather3A_290 = tpu.vector_load_idx %arg4[%broadcast_in_dim3A_14, %add3A_287] : memref<16x512xf32, #tpu.memory_space<vmem>>[vector<16xi32>, vector<16xi32>], vector<16xf32>,
      %add3A_291 = arith.addi %add3A_287, %and3A_1 : vector<16xi32>
      %gather3A_292 = tpu.vector_load_idx %arg4[%broadcast_in_dim3A_38, %add3A_291] : memref<16x512xf32, #tpu.memory_space<vmem>>[vector<16xi32>, vector<16xi32>], vector<16xf32>,
      %add3A_293 = arith.addf %gather3A_290, %gather3A_292 : vector<16xf32>
      %exp3A_294 = math.exp %add3A_293 : vector<16xf32>
      %mul3A_295 = arith.constant 16 : i32
      %mul3A_296 = arith.muli %scan3A_289, %mul3A_295 : i32
      %swap3A_297 = arith.index_cast %mul3A_296 : i32 to index
      %swap3A_298 = tpu.vector_load %arg5[%swap3A_297] {strides = array<i32>} : memref<4080xf32, #tpu.memory_space<vmem>>, vector<16xf32>,
      tpu.vector_store %arg5[%swap3A_297], %exp3A_294 {strides = array<i32>} : memref<4080xf32, #tpu.memory_space<vmem>>, vector<16xf32>,
      %add3A_299 = arith.addf %add3A_286, %exp3A_294 : vector<16xf32>
      %add3A_300 = arith.addi %add3A_287, %broadcast_in_dim3A_4 : vector<16xi32>
      %scan3A_301 = arith.constant 13 : i32
      %scan3A_302 = arith.addi %scan3A_132, %scan3A_301 : i32
      %gather3A_303 = tpu.vector_load_idx %arg4[%broadcast_in_dim3A_14, %add3A_300] : memref<16x512xf32, #tpu.memory_space<vmem>>[vector<16xi32>, vector<16xi32>], vector<16xf32>,
      %add3A_304 = arith.addi %add3A_300, %and3A_1 : vector<16xi32>
      %gather3A_305 = tpu.vector_load_idx %arg4[%broadcast_in_dim3A_38, %add3A_304] : memref<16x512xf32, #tpu.memory_space<vmem>>[vector<16xi32>, vector<16xi32>], vector<16xf32>,
      %add3A_306 = arith.addf %gather3A_303, %gather3A_305 : vector<16xf32>
      %exp3A_307 = math.exp %add3A_306 : vector<16xf32>
      %mul3A_308 = arith.constant 16 : i32
      %mul3A_309 = arith.muli %scan3A_302, %mul3A_308 : i32
      %swap3A_310 = arith.index_cast %mul3A_309 : i32 to index
      %swap3A_311 = tpu.vector_load %arg5[%swap3A_310] {strides = array<i32>} : memref<4080xf32, #tpu.memory_space<vmem>>, vector<16xf32>,
      tpu.vector_store %arg5[%swap3A_310], %exp3A_307 {strides = array<i32>} : memref<4080xf32, #tpu.memory_space<vmem>>, vector<16xf32>,
      %add3A_312 = arith.addf %add3A_299, %exp3A_307 : vector<16xf32>
      %add3A_313 = arith.addi %add3A_300, %broadcast_in_dim3A_4 : vector<16xi32>
      %scan3A_314 = arith.constant 14 : i32
      %scan3A_315 = arith.addi %scan3A_132, %scan3A_314 : i32
      %gather3A_316 = tpu.vector_load_idx %arg4[%broadcast_in_dim3A_14, %add3A_313] : memref<16x512xf32, #tpu.memory_space<vmem>>[vector<16xi32>, vector<16xi32>], vector<16xf32>,
      %add3A_317 = arith.addi %add3A_313, %and3A_1 : vector<16xi32>
      %gather3A_318 = tpu.vector_load_idx %arg4[%broadcast_in_dim3A_38, %add3A_317] : memref<16x512xf32, #tpu.memory_space<vmem>>[vector<16xi32>, vector<16xi32>], vector<16xf32>,
      %add3A_319 = arith.addf %gather3A_316, %gather3A_318 : vector<16xf32>
      %exp3A_320 = math.exp %add3A_319 : vector<16xf32>
      %mul3A_321 = arith.constant 16 : i32
      %mul3A_322 = arith.muli %scan3A_315, %mul3A_321 : i32
      %swap3A_323 = arith.index_cast %mul3A_322 : i32 to index
      %swap3A_324 = tpu.vector_load %arg5[%swap3A_323] {strides = array<i32>} : memref<4080xf32, #tpu.memory_space<vmem>>, vector<16xf32>,
      tpu.vector_store %arg5[%swap3A_323], %exp3A_320 {strides = array<i32>} : memref<4080xf32, #tpu.memory_space<vmem>>, vector<16xf32>,
      %add3A_325 = arith.addf %add3A_312, %exp3A_320 : vector<16xf32>
      %add3A_326 = arith.addi %add3A_313, %broadcast_in_dim3A_4 : vector<16xi32>
      %scan3A_327 = arith.constant 15 : i32
      %scan3A_328 = arith.addi %scan3A_132, %scan3A_327 : i32
      %gather3A_329 = tpu.vector_load_idx %arg4[%broadcast_in_dim3A_14, %add3A_326] : memref<16x512xf32, #tpu.memory_space<vmem>>[vector<16xi32>, vector<16xi32>], vector<16xf32>,
      %add3A_330 = arith.addi %add3A_326, %and3A_1 : vector<16xi32>
      %gather3A_331 = tpu.vector_load_idx %arg4[%broadcast_in_dim3A_38, %add3A_330] : memref<16x512xf32, #tpu.memory_space<vmem>>[vector<16xi32>, vector<16xi32>], vector<16xf32>,
      %add3A_332 = arith.addf %gather3A_329, %gather3A_331 : vector<16xf32>
      %exp3A_333 = math.exp %add3A_332 : vector<16xf32>
      %mul3A_334 = arith.constant 16 : i32
      %mul3A_335 = arith.muli %scan3A_328, %mul3A_334 : i32
      %swap3A_336 = arith.index_cast %mul3A_335 : i32 to index
      %swap3A_337 = tpu.vector_load %arg5[%swap3A_336] {strides = array<i32>} : memref<4080xf32, #tpu.memory_space<vmem>>, vector<16xf32>,
      tpu.vector_store %arg5[%swap3A_336], %exp3A_333 {strides = array<i32>} : memref<4080xf32, #tpu.memory_space<vmem>>, vector<16xf32>,
      %add3A_338 = arith.addf %add3A_325, %exp3A_333 : vector<16xf32>
      %add3A_339 = arith.addi %add3A_326, %broadcast_in_dim3A_4 : vector<16xi32>
      %scan3A_340 = arith.constant 16 : i32
      %scan3A_341 = arith.addi %scan3A_132, %scan3A_340 : i32
      %gather3A_342 = tpu.vector_load_idx %arg4[%broadcast_in_dim3A_14, %add3A_339] : memref<16x512xf32, #tpu.memory_space<vmem>>[vector<16xi32>, vector<16xi32>], vector<16xf32>,
      %add3A_343 = arith.addi %add3A_339, %and3A_1 : vector<16xi32>
      %gather3A_344 = tpu.vector_load_idx %arg4[%broadcast_in_dim3A_38, %add3A_343] : memref<16x512xf32, #tpu.memory_space<vmem>>[vector<16xi32>, vector<16xi32>], vector<16xf32>,
      %add3A_345 = arith.addf %gather3A_342, %gather3A_344 : vector<16xf32>
      %exp3A_346 = math.exp %add3A_345 : vector<16xf32>
      %mul3A_347 = arith.constant 16 : i32
      %mul3A_348 = arith.muli %scan3A_341, %mul3A_347 : i32
      %swap3A_349 = arith.index_cast %mul3A_348 : i32 to index
      %swap3A_350 = tpu.vector_load %arg5[%swap3A_349] {strides = array<i32>} : memref<4080xf32, #tpu.memory_space<vmem>>, vector<16xf32>,
      tpu.vector_store %arg5[%swap3A_349], %exp3A_346 {strides = array<i32>} : memref<4080xf32, #tpu.memory_space<vmem>>, vector<16xf32>,
      %add3A_351 = arith.addf %add3A_338, %exp3A_346 : vector<16xf32>
      %add3A_352 = arith.addi %add3A_339, %broadcast_in_dim3A_4 : vector<16xi32>
      %scan3A_353 = arith.constant 17 : i32
      %scan3A_354 = arith.addi %scan3A_132, %scan3A_353 : i32
      %gather3A_355 = tpu.vector_load_idx %arg4[%broadcast_in_dim3A_14, %add3A_352] : memref<16x512xf32, #tpu.memory_space<vmem>>[vector<16xi32>, vector<16xi32>], vector<16xf32>,
      %add3A_356 = arith.addi %add3A_352, %and3A_1 : vector<16xi32>
      %gather3A_357 = tpu.vector_load_idx %arg4[%broadcast_in_dim3A_38, %add3A_356] : memref<16x512xf32, #tpu.memory_space<vmem>>[vector<16xi32>, vector<16xi32>], vector<16xf32>,
      %add3A_358 = arith.addf %gather3A_355, %gather3A_357 : vector<16xf32>
      %exp3A_359 = math.exp %add3A_358 : vector<16xf32>
      %mul3A_360 = arith.constant 16 : i32
      %mul3A_361 = arith.muli %scan3A_354, %mul3A_360 : i32
      %swap3A_362 = arith.index_cast %mul3A_361 : i32 to index
      %swap3A_363 = tpu.vector_load %arg5[%swap3A_362] {strides = array<i32>} : memref<4080xf32, #tpu.memory_space<vmem>>, vector<16xf32>,
      tpu.vector_store %arg5[%swap3A_362], %exp3A_359 {strides = array<i32>} : memref<4080xf32, #tpu.memory_space<vmem>>, vector<16xf32>,
      %add3A_364 = arith.addf %add3A_351, %exp3A_359 : vector<16xf32>
      %add3A_365 = arith.addi %add3A_352, %broadcast_in_dim3A_4 : vector<16xi32>
      %scan3A_366 = arith.constant 18 : i32
      %scan3A_367 = arith.addi %scan3A_132, %scan3A_366 : i32
      %gather3A_368 = tpu.vector_load_idx %arg4[%broadcast_in_dim3A_14, %add3A_365] : memref<16x512xf32, #tpu.memory_space<vmem>>[vector<16xi32>, vector<16xi32>], vector<16xf32>,
      %add3A_369 = arith.addi %add3A_365, %and3A_1 : vector<16xi32>
      %gather3A_370 = tpu.vector_load_idx %arg4[%broadcast_in_dim3A_38, %add3A_369] : memref<16x512xf32, #tpu.memory_space<vmem>>[vector<16xi32>, vector<16xi32>], vector<16xf32>,
      %add3A_371 = arith.addf %gather3A_368, %gather3A_370 : vector<16xf32>
      %exp3A_372 = math.exp %add3A_371 : vector<16xf32>
      %mul3A_373 = arith.constant 16 : i32
      %mul3A_374 = arith.muli %scan3A_367, %mul3A_373 : i32
      %swap3A_375 = arith.index_cast %mul3A_374 : i32 to index
      %swap3A_376 = tpu.vector_load %arg5[%swap3A_375] {strides = array<i32>} : memref<4080xf32, #tpu.memory_space<vmem>>, vector<16xf32>,
      tpu.vector_store %arg5[%swap3A_375], %exp3A_372 {strides = array<i32>} : memref<4080xf32, #tpu.memory_space<vmem>>, vector<16xf32>,
      %add3A_377 = arith.addf %add3A_364, %exp3A_372 : vector<16xf32>
      %add3A_378 = arith.addi %add3A_365, %broadcast_in_dim3A_4 : vector<16xi32>
      %scan3A_379 = arith.constant 19 : i32
      %scan3A_380 = arith.addi %scan3A_132, %scan3A_379 : i32
      %gather3A_381 = tpu.vector_load_idx %arg4[%broadcast_in_dim3A_14, %add3A_378] : memref<16x512xf32, #tpu.memory_space<vmem>>[vector<16xi32>, vector<16xi32>], vector<16xf32>,
      %add3A_382 = arith.addi %add3A_378, %and3A_1 : vector<16xi32>
      %gather3A_383 = tpu.vector_load_idx %arg4[%broadcast_in_dim3A_38, %add3A_382] : memref<16x512xf32, #tpu.memory_space<vmem>>[vector<16xi32>, vector<16xi32>], vector<16xf32>,
      %add3A_384 = arith.addf %gather3A_381, %gather3A_383 : vector<16xf32>
      %exp3A_385 = math.exp %add3A_384 : vector<16xf32>
      %mul3A_386 = arith.constant 16 : i32
      %mul3A_387 = arith.muli %scan3A_380, %mul3A_386 : i32
      %swap3A_388 = arith.index_cast %mul3A_387 : i32 to index
      %swap3A_389 = tpu.vector_load %arg5[%swap3A_388] {strides = array<i32>} : memref<4080xf32, #tpu.memory_space<vmem>>, vector<16xf32>,
      tpu.vector_store %arg5[%swap3A_388], %exp3A_385 {strides = array<i32>} : memref<4080xf32, #tpu.memory_space<vmem>>, vector<16xf32>,
      %add3A_390 = arith.addf %add3A_377, %exp3A_385 : vector<16xf32>
      %add3A_391 = arith.addi %add3A_378, %broadcast_in_dim3A_4 : vector<16xi32>
      %scan3A_392 = arith.constant 20 : i32
      %scan3A_393 = arith.addi %scan3A_132, %scan3A_392 : i32
      %gather3A_394 = tpu.vector_load_idx %arg4[%broadcast_in_dim3A_14, %add3A_391] : memref<16x512xf32, #tpu.memory_space<vmem>>[vector<16xi32>, vector<16xi32>], vector<16xf32>,
      %add3A_395 = arith.addi %add3A_391, %and3A_1 : vector<16xi32>
      %gather3A_396 = tpu.vector_load_idx %arg4[%broadcast_in_dim3A_38, %add3A_395] : memref<16x512xf32, #tpu.memory_space<vmem>>[vector<16xi32>, vector<16xi32>], vector<16xf32>,
      %add3A_397 = arith.addf %gather3A_394, %gather3A_396 : vector<16xf32>
      %exp3A_398 = math.exp %add3A_397 : vector<16xf32>
      %mul3A_399 = arith.constant 16 : i32
      %mul3A_400 = arith.muli %scan3A_393, %mul3A_399 : i32
      %swap3A_401 = arith.index_cast %mul3A_400 : i32 to index
      %swap3A_402 = tpu.vector_load %arg5[%swap3A_401] {strides = array<i32>} : memref<4080xf32, #tpu.memory_space<vmem>>, vector<16xf32>,
      tpu.vector_store %arg5[%swap3A_401], %exp3A_398 {strides = array<i32>} : memref<4080xf32, #tpu.memory_space<vmem>>, vector<16xf32>,
      %add3A_403 = arith.addf %add3A_390, %exp3A_398 : vector<16xf32>
      %add3A_404 = arith.addi %add3A_391, %broadcast_in_dim3A_4 : vector<16xi32>
      %scan3A_405 = arith.constant 21 : i32
      %scan3A_406 = arith.addi %scan3A_132, %scan3A_405 : i32
      %gather3A_407 = tpu.vector_load_idx %arg4[%broadcast_in_dim3A_14, %add3A_404] : memref<16x512xf32, #tpu.memory_space<vmem>>[vector<16xi32>, vector<16xi32>], vector<16xf32>,
      %add3A_408 = arith.addi %add3A_404, %and3A_1 : vector<16xi32>
      %gather3A_409 = tpu.vector_load_idx %arg4[%broadcast_in_dim3A_38, %add3A_408] : memref<16x512xf32, #tpu.memory_space<vmem>>[vector<16xi32>, vector<16xi32>], vector<16xf32>,
      %add3A_410 = arith.addf %gather3A_407, %gather3A_409 : vector<16xf32>
      %exp3A_411 = math.exp %add3A_410 : vector<16xf32>
      %mul3A_412 = arith.constant 16 : i32
      %mul3A_413 = arith.muli %scan3A_406, %mul3A_412 : i32
      %swap3A_414 = arith.index_cast %mul3A_413 : i32 to index
      %swap3A_415 = tpu.vector_load %arg5[%swap3A_414] {strides = array<i32>} : memref<4080xf32, #tpu.memory_space<vmem>>, vector<16xf32>,
      tpu.vector_store %arg5[%swap3A_414], %exp3A_411 {strides = array<i32>} : memref<4080xf32, #tpu.memory_space<vmem>>, vector<16xf32>,
      %add3A_416 = arith.addf %add3A_403, %exp3A_411 : vector<16xf32>
      %add3A_417 = arith.addi %add3A_404, %broadcast_in_dim3A_4 : vector<16xi32>
      %scan3A_418 = arith.constant 22 : i32
      %scan3A_419 = arith.addi %scan3A_132, %scan3A_418 : i32
      %gather3A_420 = tpu.vector_load_idx %arg4[%broadcast_in_dim3A_14, %add3A_417] : memref<16x512xf32, #tpu.memory_space<vmem>>[vector<16xi32>, vector<16xi32>], vector<16xf32>,
      %add3A_421 = arith.addi %add3A_417, %and3A_1 : vector<16xi32>
      %gather3A_422 = tpu.vector_load_idx %arg4[%broadcast_in_dim3A_38, %add3A_421] : memref<16x512xf32, #tpu.memory_space<vmem>>[vector<16xi32>, vector<16xi32>], vector<16xf32>,
      %add3A_423 = arith.addf %gather3A_420, %gather3A_422 : vector<16xf32>
      %exp3A_424 = math.exp %add3A_423 : vector<16xf32>
      %mul3A_425 = arith.constant 16 : i32
      %mul3A_426 = arith.muli %scan3A_419, %mul3A_425 : i32
      %swap3A_427 = arith.index_cast %mul3A_426 : i32 to index
      %swap3A_428 = tpu.vector_load %arg5[%swap3A_427] {strides = array<i32>} : memref<4080xf32, #tpu.memory_space<vmem>>, vector<16xf32>,
      tpu.vector_store %arg5[%swap3A_427], %exp3A_424 {strides = array<i32>} : memref<4080xf32, #tpu.memory_space<vmem>>, vector<16xf32>,
      %add3A_429 = arith.addf %add3A_416, %exp3A_424 : vector<16xf32>
      %add3A_430 = arith.addi %add3A_417, %broadcast_in_dim3A_4 : vector<16xi32>
      %scan3A_431 = arith.constant 23 : i32
      %scan3A_432 = arith.addi %scan3A_132, %scan3A_431 : i32
      %gather3A_433 = tpu.vector_load_idx %arg4[%broadcast_in_dim3A_14, %add3A_430] : memref<16x512xf32, #tpu.memory_space<vmem>>[vector<16xi32>, vector<16xi32>], vector<16xf32>,
      %add3A_434 = arith.addi %add3A_430, %and3A_1 : vector<16xi32>
      %gather3A_435 = tpu.vector_load_idx %arg4[%broadcast_in_dim3A_38, %add3A_434] : memref<16x512xf32, #tpu.memory_space<vmem>>[vector<16xi32>, vector<16xi32>], vector<16xf32>,
      %add3A_436 = arith.addf %gather3A_433, %gather3A_435 : vector<16xf32>
      %exp3A_437 = math.exp %add3A_436 : vector<16xf32>
      %mul3A_438 = arith.constant 16 : i32
      %mul3A_439 = arith.muli %scan3A_432, %mul3A_438 : i32
      %swap3A_440 = arith.index_cast %mul3A_439 : i32 to index
      %swap3A_441 = tpu.vector_load %arg5[%swap3A_440] {strides = array<i32>} : memref<4080xf32, #tpu.memory_space<vmem>>, vector<16xf32>,
      tpu.vector_store %arg5[%swap3A_440], %exp3A_437 {strides = array<i32>} : memref<4080xf32, #tpu.memory_space<vmem>>, vector<16xf32>,
      %add3A_442 = arith.addf %add3A_429, %exp3A_437 : vector<16xf32>
      %add3A_443 = arith.addi %add3A_430, %broadcast_in_dim3A_4 : vector<16xi32>
      %scan3A_444 = arith.constant 24 : i32
      %scan3A_445 = arith.addi %scan3A_132, %scan3A_444 : i32
      %gather3A_446 = tpu.vector_load_idx %arg4[%broadcast_in_dim3A_14, %add3A_443] : memref<16x512xf32, #tpu.memory_space<vmem>>[vector<16xi32>, vector<16xi32>], vector<16xf32>,
      %add3A_447 = arith.addi %add3A_443, %and3A_1 : vector<16xi32>
      %gather3A_448 = tpu.vector_load_idx %arg4[%broadcast_in_dim3A_38, %add3A_447] : memref<16x512xf32, #tpu.memory_space<vmem>>[vector<16xi32>, vector<16xi32>], vector<16xf32>,
      %add3A_449 = arith.addf %gather3A_446, %gather3A_448 : vector<16xf32>
      %exp3A_450 = math.exp %add3A_449 : vector<16xf32>
      %mul3A_451 = arith.constant 16 : i32
      %mul3A_452 = arith.muli %scan3A_445, %mul3A_451 : i32
      %swap3A_453 = arith.index_cast %mul3A_452 : i32 to index
      %swap3A_454 = tpu.vector_load %arg5[%swap3A_453] {strides = array<i32>} : memref<4080xf32, #tpu.memory_space<vmem>>, vector<16xf32>,
      tpu.vector_store %arg5[%swap3A_453], %exp3A_450 {strides = array<i32>} : memref<4080xf32, #tpu.memory_space<vmem>>, vector<16xf32>,
      %add3A_455 = arith.addf %add3A_442, %exp3A_450 : vector<16xf32>
      %add3A_456 = arith.addi %add3A_443, %broadcast_in_dim3A_4 : vector<16xi32>
      %scan3A_457 = arith.constant 25 : i32
      %scan3A_458 = arith.addi %scan3A_132, %scan3A_457 : i32
      %gather3A_459 = tpu.vector_load_idx %arg4[%broadcast_in_dim3A_14, %add3A_456] : memref<16x512xf32, #tpu.memory_space<vmem>>[vector<16xi32>, vector<16xi32>], vector<16xf32>,
      %add3A_460 = arith.addi %add3A_456, %and3A_1 : vector<16xi32>
      %gather3A_461 = tpu.vector_load_idx %arg4[%broadcast_in_dim3A_38, %add3A_460] : memref<16x512xf32, #tpu.memory_space<vmem>>[vector<16xi32>, vector<16xi32>], vector<16xf32>,
      %add3A_462 = arith.addf %gather3A_459, %gather3A_461 : vector<16xf32>
      %exp3A_463 = math.exp %add3A_462 : vector<16xf32>
      %mul3A_464 = arith.constant 16 : i32
      %mul3A_465 = arith.muli %scan3A_458, %mul3A_464 : i32
      %swap3A_466 = arith.index_cast %mul3A_465 : i32 to index
      %swap3A_467 = tpu.vector_load %arg5[%swap3A_466] {strides = array<i32>} : memref<4080xf32, #tpu.memory_space<vmem>>, vector<16xf32>,
      tpu.vector_store %arg5[%swap3A_466], %exp3A_463 {strides = array<i32>} : memref<4080xf32, #tpu.memory_space<vmem>>, vector<16xf32>,
      %add3A_468 = arith.addf %add3A_455, %exp3A_463 : vector<16xf32>
      %add3A_469 = arith.addi %add3A_456, %broadcast_in_dim3A_4 : vector<16xi32>
      %scan3A_470 = arith.constant 26 : i32
      %scan3A_471 = arith.addi %scan3A_132, %scan3A_470 : i32
      %gather3A_472 = tpu.vector_load_idx %arg4[%broadcast_in_dim3A_14, %add3A_469] : memref<16x512xf32, #tpu.memory_space<vmem>>[vector<16xi32>, vector<16xi32>], vector<16xf32>,
      %add3A_473 = arith.addi %add3A_469, %and3A_1 : vector<16xi32>
      %gather3A_474 = tpu.vector_load_idx %arg4[%broadcast_in_dim3A_38, %add3A_473] : memref<16x512xf32, #tpu.memory_space<vmem>>[vector<16xi32>, vector<16xi32>], vector<16xf32>,
      %add3A_475 = arith.addf %gather3A_472, %gather3A_474 : vector<16xf32>
      %exp3A_476 = math.exp %add3A_475 : vector<16xf32>
      %mul3A_477 = arith.constant 16 : i32
      %mul3A_478 = arith.muli %scan3A_471, %mul3A_477 : i32
      %swap3A_479 = arith.index_cast %mul3A_478 : i32 to index
      %swap3A_480 = tpu.vector_load %arg5[%swap3A_479] {strides = array<i32>} : memref<4080xf32, #tpu.memory_space<vmem>>, vector<16xf32>,
      tpu.vector_store %arg5[%swap3A_479], %exp3A_476 {strides = array<i32>} : memref<4080xf32, #tpu.memory_space<vmem>>, vector<16xf32>,
      %add3A_481 = arith.addf %add3A_468, %exp3A_476 : vector<16xf32>
      %add3A_482 = arith.addi %add3A_469, %broadcast_in_dim3A_4 : vector<16xi32>
      %scan3A_483 = arith.constant 27 : i32
      %scan3A_484 = arith.addi %scan3A_132, %scan3A_483 : i32
      %gather3A_485 = tpu.vector_load_idx %arg4[%broadcast_in_dim3A_14, %add3A_482] : memref<16x512xf32, #tpu.memory_space<vmem>>[vector<16xi32>, vector<16xi32>], vector<16xf32>,
      %add3A_486 = arith.addi %add3A_482, %and3A_1 : vector<16xi32>
      %gather3A_487 = tpu.vector_load_idx %arg4[%broadcast_in_dim3A_38, %add3A_486] : memref<16x512xf32, #tpu.memory_space<vmem>>[vector<16xi32>, vector<16xi32>], vector<16xf32>,
      %add3A_488 = arith.addf %gather3A_485, %gather3A_487 : vector<16xf32>
      %exp3A_489 = math.exp %add3A_488 : vector<16xf32>
      %mul3A_490 = arith.constant 16 : i32
      %mul3A_491 = arith.muli %scan3A_484, %mul3A_490 : i32
      %swap3A_492 = arith.index_cast %mul3A_491 : i32 to index
      %swap3A_493 = tpu.vector_load %arg5[%swap3A_492] {strides = array<i32>} : memref<4080xf32, #tpu.memory_space<vmem>>, vector<16xf32>,
      tpu.vector_store %arg5[%swap3A_492], %exp3A_489 {strides = array<i32>} : memref<4080xf32, #tpu.memory_space<vmem>>, vector<16xf32>,
      %add3A_494 = arith.addf %add3A_481, %exp3A_489 : vector<16xf32>
      %add3A_495 = arith.addi %add3A_482, %broadcast_in_dim3A_4 : vector<16xi32>
      scf.yield %add3A_494, %add3A_495 : vector<16xf32>, vector<16xi32>
    }
    %scan3A_45 = arith.constant 252 : i32
    %get3A = arith.constant 8 : i32
    %get3A_46 = arith.index_cast %get3A : i32 to index
    %get3A_47 = arith.constant 0 : index
    %get3A_48 = tpu.vector_load %arg4[%get3A_46, %get3A_47] {strides = array<i32>} : memref<16x512xf32, #tpu.memory_space<vmem>>, vector<16xf32>,
    %bitcast3A = vector.bitcast %get3A_48 : vector<16xf32> to vector<16xi32>
    %get3A_49 = arith.constant 8 : i32
    %get3A_50 = arith.index_cast %get3A_49 : i32 to index
    %get3A_51 = arith.constant 48 : index
    %get3A_52 = tpu.vector_load %arg4[%get3A_50, %get3A_51] {strides = array<i32>} : memref<16x512xf32, #tpu.memory_space<vmem>>, vector<16xf32>,
    %bitcast3A_53 = vector.bitcast %get3A_52 : vector<16xf32> to vector<16xi32>
    %gather3A = tpu.vector_load_idx %arg4[%broadcast_in_dim3A_14, %bitcast3A] : memref<16x512xf32, #tpu.memory_space<vmem>>[vector<16xi32>, vector<16xi32>], vector<16xf32>,
    %gather3A_54 = tpu.vector_load_idx %arg4[%broadcast_in_dim3A_38, %bitcast3A_53] : memref<16x512xf32, #tpu.memory_space<vmem>>[vector<16xi32>, vector<16xi32>], vector<16xf32>,
    %add3A_55 = arith.addf %gather3A, %gather3A_54 : vector<16xf32>
    %exp3A = math.exp %add3A_55 : vector<16xf32>
    %add3A_56 = arith.constant 4032 : i32
    %add3A_57 = vector.broadcast %add3A_56 : i32 to vector<16xi32>
    %add3A_58 = arith.addi %add3A_57, %iota3A : vector<16xi32>
    %lt3A_59 = arith.constant 4068 : i32
    %lt3A_60 = vector.broadcast %lt3A_59 : i32 to vector<16xi32>
    %lt3A_61 = arith.cmpi slt, %add3A_58, %lt3A_60 : vector<16xi32>
    %jit3A_62 = arith.constant 0.000000e+00 : f32
    %broadcast_in_dim3A_63 = vector.broadcast %jit3A_62 : f32 to vector<16xf32>
    %select_n3A_64 = arith.select %lt3A_61, %exp3A, %broadcast_in_dim3A_63 : vector<16xi1>, vector<16xf32>
    %swap3A = arith.constant 4032 : index
    %swap3A_65 = tpu.vector_load %arg5[%swap3A] {strides = array<i32>} : memref<4080xf32, #tpu.memory_space<vmem>>, vector<16xf32>,
    tpu.vector_store %arg5[%swap3A], %select_n3A_64 {strides = array<i32>} : memref<4080xf32, #tpu.memory_space<vmem>>, vector<16xf32>,
    %add3A_66 = arith.addf %scan3A_44#0, %select_n3A_64 : vector<16xf32>
    %get3A_67 = arith.constant 8 : i32
    %get3A_68 = arith.index_cast %get3A_67 : i32 to index
    %get3A_69 = arith.constant 16 : index
    %get3A_70 = tpu.vector_load %arg4[%get3A_68, %get3A_69] {strides = array<i32>} : memref<16x512xf32, #tpu.memory_space<vmem>>, vector<16xf32>,
    %bitcast3A_71 = vector.bitcast %get3A_70 : vector<16xf32> to vector<16xi32>
    %get3A_72 = arith.constant 8 : i32
    %get3A_73 = arith.index_cast %get3A_72 : i32 to index
    %get3A_74 = arith.constant 64 : index
    %get3A_75 = tpu.vector_load %arg4[%get3A_73, %get3A_74] {strides = array<i32>} : memref<16x512xf32, #tpu.memory_space<vmem>>, vector<16xf32>,
    %bitcast3A_76 = vector.bitcast %get3A_75 : vector<16xf32> to vector<16xi32>
    %gather3A_77 = tpu.vector_load_idx %arg4[%broadcast_in_dim3A_14, %bitcast3A_71] : memref<16x512xf32, #tpu.memory_space<vmem>>[vector<16xi32>, vector<16xi32>], vector<16xf32>,
    %gather3A_78 = tpu.vector_load_idx %arg4[%broadcast_in_dim3A_38, %bitcast3A_76] : memref<16x512xf32, #tpu.memory_space<vmem>>[vector<16xi32>, vector<16xi32>], vector<16xf32>,
    %add3A_79 = arith.addf %gather3A_77, %gather3A_78 : vector<16xf32>
    %exp3A_80 = math.exp %add3A_79 : vector<16xf32>
    %add3A_81 = arith.constant 4048 : i32
    %add3A_82 = vector.broadcast %add3A_81 : i32 to vector<16xi32>
    %add3A_83 = arith.addi %add3A_82, %iota3A : vector<16xi32>
    %lt3A_84 = arith.constant 4068 : i32
    %lt3A_85 = vector.broadcast %lt3A_84 : i32 to vector<16xi32>
    %lt3A_86 = arith.cmpi slt, %add3A_83, %lt3A_85 : vector<16xi32>
    %jit3A_87 = arith.constant 0.000000e+00 : f32
    %broadcast_in_dim3A_88 = vector.broadcast %jit3A_87 : f32 to vector<16xf32>
    %select_n3A_89 = arith.select %lt3A_86, %exp3A_80, %broadcast_in_dim3A_88 : vector<16xi1>, vector<16xf32>
    %swap3A_90 = arith.constant 4048 : index
    %swap3A_91 = tpu.vector_load %arg5[%swap3A_90] {strides = array<i32>} : memref<4080xf32, #tpu.memory_space<vmem>>, vector<16xf32>,
    tpu.vector_store %arg5[%swap3A_90], %select_n3A_89 {strides = array<i32>} : memref<4080xf32, #tpu.memory_space<vmem>>, vector<16xf32>,
    %add3A_92 = arith.addf %add3A_66, %select_n3A_89 : vector<16xf32>
    %get3A_93 = arith.constant 8 : i32
    %get3A_94 = arith.index_cast %get3A_93 : i32 to index
    %get3A_95 = arith.constant 32 : index
    %get3A_96 = tpu.vector_load %arg4[%get3A_94, %get3A_95] {strides = array<i32>} : memref<16x512xf32, #tpu.memory_space<vmem>>, vector<16xf32>,
    %bitcast3A_97 = vector.bitcast %get3A_96 : vector<16xf32> to vector<16xi32>
    %get3A_98 = arith.constant 8 : i32
    %get3A_99 = arith.index_cast %get3A_98 : i32 to index
    %get3A_100 = arith.constant 80 : index
    %get3A_101 = tpu.vector_load %arg4[%get3A_99, %get3A_100] {strides = array<i32>} : memref<16x512xf32, #tpu.memory_space<vmem>>, vector<16xf32>,
    %bitcast3A_102 = vector.bitcast %get3A_101 : vector<16xf32> to vector<16xi32>
    %gather3A_103 = tpu.vector_load_idx %arg4[%broadcast_in_dim3A_14, %bitcast3A_97] : memref<16x512xf32, #tpu.memory_space<vmem>>[vector<16xi32>, vector<16xi32>], vector<16xf32>,
    %gather3A_104 = tpu.vector_load_idx %arg4[%broadcast_in_dim3A_38, %bitcast3A_102] : memref<16x512xf32, #tpu.memory_space<vmem>>[vector<16xi32>, vector<16xi32>], vector<16xf32>,
    %add3A_105 = arith.addf %gather3A_103, %gather3A_104 : vector<16xf32>
    %exp3A_106 = math.exp %add3A_105 : vector<16xf32>
    %add3A_107 = arith.constant 4064 : i32
    %add3A_108 = vector.broadcast %add3A_107 : i32 to vector<16xi32>
    %add3A_109 = arith.addi %add3A_108, %iota3A : vector<16xi32>
    %lt3A_110 = arith.constant 4068 : i32
    %lt3A_111 = vector.broadcast %lt3A_110 : i32 to vector<16xi32>
    %lt3A_112 = arith.cmpi slt, %add3A_109, %lt3A_111 : vector<16xi32>
    %jit3A_113 = arith.constant 0.000000e+00 : f32
    %broadcast_in_dim3A_114 = vector.broadcast %jit3A_113 : f32 to vector<16xf32>
    %select_n3A_115 = arith.select %lt3A_112, %exp3A_106, %broadcast_in_dim3A_114 : vector<16xi1>, vector<16xf32>
    %swap3A_116 = arith.constant 4064 : index
    %swap3A_117 = tpu.vector_load %arg5[%swap3A_116] {strides = array<i32>} : memref<4080xf32, #tpu.memory_space<vmem>>, vector<16xf32>,
    tpu.vector_store %arg5[%swap3A_116], %select_n3A_115 {strides = array<i32>} : memref<4080xf32, #tpu.memory_space<vmem>>, vector<16xf32>,
    %add3A_118 = arith.addf %add3A_92, %select_n3A_115 : vector<16xf32>
    %reduce_sum3A = arith.constant true
    %reduce_sum3A_119 = vector.broadcast %reduce_sum3A : i1 to vector<16xi1>
    %reduce_sum3A_120 = tpu.scan <sum>, %add3A_118 masked %reduce_sum3A_119 : vector<16xf32>, vector<16xi1> -> vector<16xf32>
    %reduce_sum3A_121 = vector.extract %reduce_sum3A_120[15] : f32 from vector<16xf32>
    %broadcast_in_dim3A_122 = arith.constant 1.000000e+00 : f32
    %broadcast_in_dim3A_123 = vector.broadcast %broadcast_in_dim3A_122 : f32 to vector<16xf32>
    %broadcast_in_dim3A_124 = vector.broadcast %reduce_sum3A_121 : f32 to vector<16xf32>
    %div3A_125 = arith.divf %broadcast_in_dim3A_123, %broadcast_in_dim3A_124 : vector<16xf32>
    %scan3A_126 = arith.constant 0 : i32
    %scan3A_127 = arith.constant 0 : i32
    %scan3A_128 = arith.constant 255 : i32
    %scan3A_129 = arith.addi %scan3A_127, %scan3A_128 : i32
    %scan3A_130 = arith.constant 15 : i32
    scf.for %scan3A_132 = %scan3A_127 to %scan3A_129 step %scan3A_130  : i32 {
      %mul3A = arith.constant 16 : i32
      %mul3A_133 = arith.muli %scan3A_132, %mul3A : i32
      %get3A_134 = arith.index_cast %mul3A_133 : i32 to index
      %get3A_135 = tpu.vector_load %arg5[%get3A_134] {strides = array<i32>} : memref<4080xf32, #tpu.memory_space<vmem>>, vector<16xf32>,
      %mul3A_136 = arith.mulf %get3A_135, %div3A_125 : vector<16xf32>
      %mul3A_137 = arith.constant 16 : i32
      %mul3A_138 = arith.muli %scan3A_132, %mul3A_137 : i32
      %swap3A_139 = arith.index_cast %mul3A_138 : i32 to index
      %swap3A_140 = tpu.vector_load %arg5[%swap3A_139] {strides = array<i32>} : memref<4080xf32, #tpu.memory_space<vmem>>, vector<16xf32>,
      tpu.vector_store %arg5[%swap3A_139], %mul3A_136 {strides = array<i32>} : memref<4080xf32, #tpu.memory_space<vmem>>, vector<16xf32>,
      %scan3A_141 = arith.constant 1 : i32
      %scan3A_142 = arith.addi %scan3A_132, %scan3A_141 : i32
      %mul3A_143 = arith.constant 16 : i32
      %mul3A_144 = arith.muli %scan3A_142, %mul3A_143 : i32
      %get3A_145 = arith.index_cast %mul3A_144 : i32 to index
      %get3A_146 = tpu.vector_load %arg5[%get3A_145] {strides = array<i32>} : memref<4080xf32, #tpu.memory_space<vmem>>, vector<16xf32>,
      %mul3A_147 = arith.mulf %get3A_146, %div3A_125 : vector<16xf32>
      %mul3A_148 = arith.constant 16 : i32
      %mul3A_149 = arith.muli %scan3A_142, %mul3A_148 : i32
      %swap3A_150 = arith.index_cast %mul3A_149 : i32 to index
      %swap3A_151 = tpu.vector_load %arg5[%swap3A_150] {strides = array<i32>} : memref<4080xf32, #tpu.memory_space<vmem>>, vector<16xf32>,
      tpu.vector_store %arg5[%swap3A_150], %mul3A_147 {strides = array<i32>} : memref<4080xf32, #tpu.memory_space<vmem>>, vector<16xf32>,
      %scan3A_152 = arith.constant 2 : i32
      %scan3A_153 = arith.addi %scan3A_132, %scan3A_152 : i32
      %mul3A_154 = arith.constant 16 : i32
      %mul3A_155 = arith.muli %scan3A_153, %mul3A_154 : i32
      %get3A_156 = arith.index_cast %mul3A_155 : i32 to index
      %get3A_157 = tpu.vector_load %arg5[%get3A_156] {strides = array<i32>} : memref<4080xf32, #tpu.memory_space<vmem>>, vector<16xf32>,
      %mul3A_158 = arith.mulf %get3A_157, %div3A_125 : vector<16xf32>
      %mul3A_159 = arith.constant 16 : i32
      %mul3A_160 = arith.muli %scan3A_153, %mul3A_159 : i32
      %swap3A_161 = arith.index_cast %mul3A_160 : i32 to index
      %swap3A_162 = tpu.vector_load %arg5[%swap3A_161] {strides = array<i32>} : memref<4080xf32, #tpu.memory_space<vmem>>, vector<16xf32>,
      tpu.vector_store %arg5[%swap3A_161], %mul3A_158 {strides = array<i32>} : memref<4080xf32, #tpu.memory_space<vmem>>, vector<16xf32>,
      %scan3A_163 = arith.constant 3 : i32
      %scan3A_164 = arith.addi %scan3A_132, %scan3A_163 : i32
      %mul3A_165 = arith.constant 16 : i32
      %mul3A_166 = arith.muli %scan3A_164, %mul3A_165 : i32
      %get3A_167 = arith.index_cast %mul3A_166 : i32 to index
      %get3A_168 = tpu.vector_load %arg5[%get3A_167] {strides = array<i32>} : memref<4080xf32, #tpu.memory_space<vmem>>, vector<16xf32>,
      %mul3A_169 = arith.mulf %get3A_168, %div3A_125 : vector<16xf32>
      %mul3A_170 = arith.constant 16 : i32
      %mul3A_171 = arith.muli %scan3A_164, %mul3A_170 : i32
      %swap3A_172 = arith.index_cast %mul3A_171 : i32 to index
      %swap3A_173 = tpu.vector_load %arg5[%swap3A_172] {strides = array<i32>} : memref<4080xf32, #tpu.memory_space<vmem>>, vector<16xf32>,
      tpu.vector_store %arg5[%swap3A_172], %mul3A_169 {strides = array<i32>} : memref<4080xf32, #tpu.memory_space<vmem>>, vector<16xf32>,
      %scan3A_174 = arith.constant 4 : i32
      %scan3A_175 = arith.addi %scan3A_132, %scan3A_174 : i32
      %mul3A_176 = arith.constant 16 : i32
      %mul3A_177 = arith.muli %scan3A_175, %mul3A_176 : i32
      %get3A_178 = arith.index_cast %mul3A_177 : i32 to index
      %get3A_179 = tpu.vector_load %arg5[%get3A_178] {strides = array<i32>} : memref<4080xf32, #tpu.memory_space<vmem>>, vector<16xf32>,
      %mul3A_180 = arith.mulf %get3A_179, %div3A_125 : vector<16xf32>
      %mul3A_181 = arith.constant 16 : i32
      %mul3A_182 = arith.muli %scan3A_175, %mul3A_181 : i32
      %swap3A_183 = arith.index_cast %mul3A_182 : i32 to index
      %swap3A_184 = tpu.vector_load %arg5[%swap3A_183] {strides = array<i32>} : memref<4080xf32, #tpu.memory_space<vmem>>, vector<16xf32>,
      tpu.vector_store %arg5[%swap3A_183], %mul3A_180 {strides = array<i32>} : memref<4080xf32, #tpu.memory_space<vmem>>, vector<16xf32>,
      %scan3A_185 = arith.constant 5 : i32
      %scan3A_186 = arith.addi %scan3A_132, %scan3A_185 : i32
      %mul3A_187 = arith.constant 16 : i32
      %mul3A_188 = arith.muli %scan3A_186, %mul3A_187 : i32
      %get3A_189 = arith.index_cast %mul3A_188 : i32 to index
      %get3A_190 = tpu.vector_load %arg5[%get3A_189] {strides = array<i32>} : memref<4080xf32, #tpu.memory_space<vmem>>, vector<16xf32>,
      %mul3A_191 = arith.mulf %get3A_190, %div3A_125 : vector<16xf32>
      %mul3A_192 = arith.constant 16 : i32
      %mul3A_193 = arith.muli %scan3A_186, %mul3A_192 : i32
      %swap3A_194 = arith.index_cast %mul3A_193 : i32 to index
      %swap3A_195 = tpu.vector_load %arg5[%swap3A_194] {strides = array<i32>} : memref<4080xf32, #tpu.memory_space<vmem>>, vector<16xf32>,
      tpu.vector_store %arg5[%swap3A_194], %mul3A_191 {strides = array<i32>} : memref<4080xf32, #tpu.memory_space<vmem>>, vector<16xf32>,
      %scan3A_196 = arith.constant 6 : i32
      %scan3A_197 = arith.addi %scan3A_132, %scan3A_196 : i32
      %mul3A_198 = arith.constant 16 : i32
      %mul3A_199 = arith.muli %scan3A_197, %mul3A_198 : i32
      %get3A_200 = arith.index_cast %mul3A_199 : i32 to index
      %get3A_201 = tpu.vector_load %arg5[%get3A_200] {strides = array<i32>} : memref<4080xf32, #tpu.memory_space<vmem>>, vector<16xf32>,
      %mul3A_202 = arith.mulf %get3A_201, %div3A_125 : vector<16xf32>
      %mul3A_203 = arith.constant 16 : i32
      %mul3A_204 = arith.muli %scan3A_197, %mul3A_203 : i32
      %swap3A_205 = arith.index_cast %mul3A_204 : i32 to index
      %swap3A_206 = tpu.vector_load %arg5[%swap3A_205] {strides = array<i32>} : memref<4080xf32, #tpu.memory_space<vmem>>, vector<16xf32>,
      tpu.vector_store %arg5[%swap3A_205], %mul3A_202 {strides = array<i32>} : memref<4080xf32, #tpu.memory_space<vmem>>, vector<16xf32>,
      %scan3A_207 = arith.constant 7 : i32
      %scan3A_208 = arith.addi %scan3A_132, %scan3A_207 : i32
      %mul3A_209 = arith.constant 16 : i32
      %mul3A_210 = arith.muli %scan3A_208, %mul3A_209 : i32
      %get3A_211 = arith.index_cast %mul3A_210 : i32 to index
      %get3A_212 = tpu.vector_load %arg5[%get3A_211] {strides = array<i32>} : memref<4080xf32, #tpu.memory_space<vmem>>, vector<16xf32>,
      %mul3A_213 = arith.mulf %get3A_212, %div3A_125 : vector<16xf32>
      %mul3A_214 = arith.constant 16 : i32
      %mul3A_215 = arith.muli %scan3A_208, %mul3A_214 : i32
      %swap3A_216 = arith.index_cast %mul3A_215 : i32 to index
      %swap3A_217 = tpu.vector_load %arg5[%swap3A_216] {strides = array<i32>} : memref<4080xf32, #tpu.memory_space<vmem>>, vector<16xf32>,
      tpu.vector_store %arg5[%swap3A_216], %mul3A_213 {strides = array<i32>} : memref<4080xf32, #tpu.memory_space<vmem>>, vector<16xf32>,
      %scan3A_218 = arith.constant 8 : i32
      %scan3A_219 = arith.addi %scan3A_132, %scan3A_218 : i32
      %mul3A_220 = arith.constant 16 : i32
      %mul3A_221 = arith.muli %scan3A_219, %mul3A_220 : i32
      %get3A_222 = arith.index_cast %mul3A_221 : i32 to index
      %get3A_223 = tpu.vector_load %arg5[%get3A_222] {strides = array<i32>} : memref<4080xf32, #tpu.memory_space<vmem>>, vector<16xf32>,
      %mul3A_224 = arith.mulf %get3A_223, %div3A_125 : vector<16xf32>
      %mul3A_225 = arith.constant 16 : i32
      %mul3A_226 = arith.muli %scan3A_219, %mul3A_225 : i32
      %swap3A_227 = arith.index_cast %mul3A_226 : i32 to index
      %swap3A_228 = tpu.vector_load %arg5[%swap3A_227] {strides = array<i32>} : memref<4080xf32, #tpu.memory_space<vmem>>, vector<16xf32>,
      tpu.vector_store %arg5[%swap3A_227], %mul3A_224 {strides = array<i32>} : memref<4080xf32, #tpu.memory_space<vmem>>, vector<16xf32>,
      %scan3A_229 = arith.constant 9 : i32
      %scan3A_230 = arith.addi %scan3A_132, %scan3A_229 : i32
      %mul3A_231 = arith.constant 16 : i32
      %mul3A_232 = arith.muli %scan3A_230, %mul3A_231 : i32
      %get3A_233 = arith.index_cast %mul3A_232 : i32 to index
      %get3A_234 = tpu.vector_load %arg5[%get3A_233] {strides = array<i32>} : memref<4080xf32, #tpu.memory_space<vmem>>, vector<16xf32>,
      %mul3A_235 = arith.mulf %get3A_234, %div3A_125 : vector<16xf32>
      %mul3A_236 = arith.constant 16 : i32
      %mul3A_237 = arith.muli %scan3A_230, %mul3A_236 : i32
      %swap3A_238 = arith.index_cast %mul3A_237 : i32 to index
      %swap3A_239 = tpu.vector_load %arg5[%swap3A_238] {strides = array<i32>} : memref<4080xf32, #tpu.memory_space<vmem>>, vector<16xf32>,
      tpu.vector_store %arg5[%swap3A_238], %mul3A_235 {strides = array<i32>} : memref<4080xf32, #tpu.memory_space<vmem>>, vector<16xf32>,
      %scan3A_240 = arith.constant 10 : i32
      %scan3A_241 = arith.addi %scan3A_132, %scan3A_240 : i32
      %mul3A_242 = arith.constant 16 : i32
      %mul3A_243 = arith.muli %scan3A_241, %mul3A_242 : i32
      %get3A_244 = arith.index_cast %mul3A_243 : i32 to index
      %get3A_245 = tpu.vector_load %arg5[%get3A_244] {strides = array<i32>} : memref<4080xf32, #tpu.memory_space<vmem>>, vector<16xf32>,
      %mul3A_246 = arith.mulf %get3A_245, %div3A_125 : vector<16xf32>
      %mul3A_247 = arith.constant 16 : i32
      %mul3A_248 = arith.muli %scan3A_241, %mul3A_247 : i32
      %swap3A_249 = arith.index_cast %mul3A_248 : i32 to index
      %swap3A_250 = tpu.vector_load %arg5[%swap3A_249] {strides = array<i32>} : memref<4080xf32, #tpu.memory_space<vmem>>, vector<16xf32>,
      tpu.vector_store %arg5[%swap3A_249], %mul3A_246 {strides = array<i32>} : memref<4080xf32, #tpu.memory_space<vmem>>, vector<16xf32>,
      %scan3A_251 = arith.constant 11 : i32
      %scan3A_252 = arith.addi %scan3A_132, %scan3A_251 : i32
      %mul3A_253 = arith.constant 16 : i32
      %mul3A_254 = arith.muli %scan3A_252, %mul3A_253 : i32
      %get3A_255 = arith.index_cast %mul3A_254 : i32 to index
      %get3A_256 = tpu.vector_load %arg5[%get3A_255] {strides = array<i32>} : memref<4080xf32, #tpu.memory_space<vmem>>, vector<16xf32>,
      %mul3A_257 = arith.mulf %get3A_256, %div3A_125 : vector<16xf32>
      %mul3A_258 = arith.constant 16 : i32
      %mul3A_259 = arith.muli %scan3A_252, %mul3A_258 : i32
      %swap3A_260 = arith.index_cast %mul3A_259 : i32 to index
      %swap3A_261 = tpu.vector_load %arg5[%swap3A_260] {strides = array<i32>} : memref<4080xf32, #tpu.memory_space<vmem>>, vector<16xf32>,
      tpu.vector_store %arg5[%swap3A_260], %mul3A_257 {strides = array<i32>} : memref<4080xf32, #tpu.memory_space<vmem>>, vector<16xf32>,
      %scan3A_262 = arith.constant 12 : i32
      %scan3A_263 = arith.addi %scan3A_132, %scan3A_262 : i32
      %mul3A_264 = arith.constant 16 : i32
      %mul3A_265 = arith.muli %scan3A_263, %mul3A_264 : i32
      %get3A_266 = arith.index_cast %mul3A_265 : i32 to index
      %get3A_267 = tpu.vector_load %arg5[%get3A_266] {strides = array<i32>} : memref<4080xf32, #tpu.memory_space<vmem>>, vector<16xf32>,
      %mul3A_268 = arith.mulf %get3A_267, %div3A_125 : vector<16xf32>
      %mul3A_269 = arith.constant 16 : i32
      %mul3A_270 = arith.muli %scan3A_263, %mul3A_269 : i32
      %swap3A_271 = arith.index_cast %mul3A_270 : i32 to index
      %swap3A_272 = tpu.vector_load %arg5[%swap3A_271] {strides = array<i32>} : memref<4080xf32, #tpu.memory_space<vmem>>, vector<16xf32>,
      tpu.vector_store %arg5[%swap3A_271], %mul3A_268 {strides = array<i32>} : memref<4080xf32, #tpu.memory_space<vmem>>, vector<16xf32>,
      %scan3A_273 = arith.constant 13 : i32
      %scan3A_274 = arith.addi %scan3A_132, %scan3A_273 : i32
      %mul3A_275 = arith.constant 16 : i32
      %mul3A_276 = arith.muli %scan3A_274, %mul3A_275 : i32
      %get3A_277 = arith.index_cast %mul3A_276 : i32 to index
      %get3A_278 = tpu.vector_load %arg5[%get3A_277] {strides = array<i32>} : memref<4080xf32, #tpu.memory_space<vmem>>, vector<16xf32>,
      %mul3A_279 = arith.mulf %get3A_278, %div3A_125 : vector<16xf32>
      %mul3A_280 = arith.constant 16 : i32
      %mul3A_281 = arith.muli %scan3A_274, %mul3A_280 : i32
      %swap3A_282 = arith.index_cast %mul3A_281 : i32 to index
      %swap3A_283 = tpu.vector_load %arg5[%swap3A_282] {strides = array<i32>} : memref<4080xf32, #tpu.memory_space<vmem>>, vector<16xf32>,
      tpu.vector_store %arg5[%swap3A_282], %mul3A_279 {strides = array<i32>} : memref<4080xf32, #tpu.memory_space<vmem>>, vector<16xf32>,
      %scan3A_284 = arith.constant 14 : i32
      %scan3A_285 = arith.addi %scan3A_132, %scan3A_284 : i32
      %mul3A_286 = arith.constant 16 : i32
      %mul3A_287 = arith.muli %scan3A_285, %mul3A_286 : i32
      %get3A_288 = arith.index_cast %mul3A_287 : i32 to index
      %get3A_289 = tpu.vector_load %arg5[%get3A_288] {strides = array<i32>} : memref<4080xf32, #tpu.memory_space<vmem>>, vector<16xf32>,
      %mul3A_290 = arith.mulf %get3A_289, %div3A_125 : vector<16xf32>
      %mul3A_291 = arith.constant 16 : i32
      %mul3A_292 = arith.muli %scan3A_285, %mul3A_291 : i32
      %swap3A_293 = arith.index_cast %mul3A_292 : i32 to index
      %swap3A_294 = tpu.vector_load %arg5[%swap3A_293] {strides = array<i32>} : memref<4080xf32, #tpu.memory_space<vmem>>, vector<16xf32>,
      tpu.vector_store %arg5[%swap3A_293], %mul3A_290 {strides = array<i32>} : memref<4080xf32, #tpu.memory_space<vmem>>, vector<16xf32>,
    }
    %scan3A_131 = arith.constant 255 : i32
    "tpu.region"() ({
      %run_scoped3A = tpu.sem_alloc : memref<!tpu.dma_semaphore, #tpu.memory_space<semaphore_mem>>
      %dma_start3A = arith.constant 0 : i32
      %dma_start3A_132 = tpu.memref_slice %arg3[%arg1, %dma_start3A] : memref<16x4080xf32, #tpu.memory_space<hbm>> -> memref<1x4080xf32, #tpu.memory_space<hbm>>
      %dma_start3A_133 = tpu.memref_squeeze %dma_start3A_132 : memref<1x4080xf32, #tpu.memory_space<hbm>> -> memref<4080xf32, #tpu.memory_space<hbm>>
      %dma_start3A_134 = arith.constant 0 : i32
      %dma_start3A_135 = tpu.memref_slice %arg3[%arg1, %dma_start3A_134] : memref<16x4080xf32, #tpu.memory_space<hbm>> -> memref<1x4080xf32, #tpu.memory_space<hbm>>
      %dma_start3A_136 = tpu.memref_squeeze %dma_start3A_135 : memref<1x4080xf32, #tpu.memory_space<hbm>> -> memref<4080xf32, #tpu.memory_space<hbm>>
      tpu.enqueue_dma source(%arg5 : memref<4080xf32, #tpu.memory_space<vmem>>) target(%dma_start3A_136 : memref<4080xf32, #tpu.memory_space<hbm>>) target_semaphore(%run_scoped3A : memref<!tpu.dma_semaphore, #tpu.memory_space<semaphore_mem>>)
      %dma_wait3A = arith.constant 0 : i32
      %dma_wait3A_137 = tpu.memref_slice %arg3[%arg1, %dma_wait3A] : memref<16x4080xf32, #tpu.memory_space<hbm>> -> memref<1x4080xf32, #tpu.memory_space<hbm>>
      %dma_wait3A_138 = tpu.memref_squeeze %dma_wait3A_137 : memref<1x4080xf32, #tpu.memory_space<hbm>> -> memref<4080xf32, #tpu.memory_space<hbm>>
      %dma_wait3A_139 = arith.constant 0 : i32
      %dma_wait3A_140 = tpu.memref_slice %arg3[%arg1, %dma_wait3A_139] : memref<16x4080xf32, #tpu.memory_space<hbm>> -> memref<1x4080xf32, #tpu.memory_space<hbm>>
      %dma_wait3A_141 = tpu.memref_squeeze %dma_wait3A_140 : memref<1x4080xf32, #tpu.memory_space<hbm>> -> memref<4080xf32, #tpu.memory_space<hbm>>
      tpu.wait_dma2 semaphore(%run_scoped3A : memref<!tpu.dma_semaphore, #tpu.memory_space<semaphore_mem>>) src(%arg5 : memref<4080xf32, #tpu.memory_space<vmem>>) dst(%dma_wait3A_141 : memref<4080xf32, #tpu.memory_space<hbm>>)
      tpu.yield
    }) : () -> ()
    return
  }
}

module attributes {stable_mosaic.version = 14 : i64} {
  func.func @_proj_body(%arg0: memref<4x512x768xf32, #tpu.memory_space<vmem>>, %arg1: memref<1x512xi32, #tpu.memory_space<vmem>>, %arg2: memref<1x512xi32, #tpu.memory_space<vmem>>, %arg3: memref<1x384xf32, #tpu.memory_space<vmem>>, %arg4: memref<1x1xf32, #tpu.memory_space<vmem>>, %arg5: memref<1x512xf32, #tpu.memory_space<vmem>>, %arg6: memref<16x512xf32, #tpu.memory_space<vmem>>) attributes {dimension_semantics = [], scalar_prefetch = 0 : i64, scratch_operands = 0 : i64, tpu.core_type = #tpu.core_type<tc>} {
    %get3A = arith.constant 0 : index
    %get3A_0 = arith.constant 0 : index
    %get3A_1 = arith.constant 0 : index
    %get3A_2 = vector.load %arg0[%get3A, %get3A_0, %get3A_1] : memref<4x512x768xf32, #tpu.memory_space<vmem>>, vector<4x512x768xf32>
    %get3A_3 = arith.constant 0 : index
    %get3A_4 = arith.constant 0 : index
    %get3A_5 = vector.load %arg3[%get3A_3, %get3A_4] : memref<1x384xf32, #tpu.memory_space<vmem>>, vector<1x384xf32>
    %get3A_6 = arith.constant 0 : index
    %get3A_7 = arith.constant 0 : index
    %get3A_8 = vector.load %arg1[%get3A_6, %get3A_7] : memref<1x512xi32, #tpu.memory_space<vmem>>, vector<1x512xi32>
    %get3A_9 = arith.constant 0 : index
    %get3A_10 = arith.constant 0 : index
    %get3A_11 = vector.load %arg2[%get3A_9, %get3A_10] : memref<1x512xi32, #tpu.memory_space<vmem>>, vector<1x512xi32>
    %mul3A = arith.muli %get3A_8, %get3A_11 : vector<1x512xi32>
    %convert_element_type3A = arith.sitofp %mul3A : vector<1x512xi32> to vector<1x512xf32>
    %sub3A = arith.constant 1.000000e+00 : f32
    %sub3A_12 = vector.broadcast %sub3A : f32 to vector<1x512xf32>
    %sub3A_13 = arith.subf %sub3A_12, %convert_element_type3A : vector<1x512xf32>
    %mul3A_14 = arith.constant -1.000000e+07 : f32
    %mul3A_15 = vector.broadcast %mul3A_14 : f32 to vector<1x512xf32>
    %mul3A_16 = arith.mulf %mul3A_15, %sub3A_13 : vector<1x512xf32>
    %slice3A = vector.extract_strided_slice %get3A_2 {offsets = [0, 0, 0], sizes = [4, 512, 384], strides = [1, 1, 1]} : vector<4x512x768xf32> to vector<4x512x384xf32>
    %broadcast_in_dim3A = vector.shape_cast %get3A_5 : vector<1x384xf32> to vector<1x1x384xf32>
    %mul3A_17 = vector.broadcast %broadcast_in_dim3A : vector<1x1x384xf32> to vector<4x512x384xf32>
    %mul3A_18 = arith.mulf %slice3A, %mul3A_17 : vector<4x512x384xf32>
    %reduce_sum3A = arith.constant dense<0.000000e+00> : vector<4x512xf32>
    %reduce_sum3A_19 = vector.multi_reduction <add>, %mul3A_18, %reduce_sum3A [2] : vector<4x512x384xf32> to vector<4x512xf32>
    %get3A_20 = arith.constant 0 : index
    %get3A_21 = arith.constant 0 : index
    %get3A_22 = vector.load %arg4[%get3A_20, %get3A_21] : memref<1x1xf32, #tpu.memory_space<vmem>>, vector<1x1xf32>
    %get3A_23 = vector.extract %get3A_22[0, 0] : f32 from vector<1x1xf32>
    %add3A = vector.broadcast %get3A_23 : f32 to vector<4x512xf32>
    %add3A_24 = arith.addf %reduce_sum3A_19, %add3A : vector<4x512xf32>
    %add3A_25 = vector.broadcast %mul3A_16 : vector<1x512xf32> to vector<4x512xf32>
    %add3A_26 = arith.addf %add3A_24, %add3A_25 : vector<4x512xf32>
    %slice3A_27 = vector.extract_strided_slice %get3A_2 {offsets = [0, 0, 384], sizes = [4, 512, 384], strides = [1, 1, 1]} : vector<4x512x768xf32> to vector<4x512x384xf32>
    %broadcast_in_dim3A_28 = vector.shape_cast %get3A_5 : vector<1x384xf32> to vector<1x1x384xf32>
    %mul3A_29 = vector.broadcast %broadcast_in_dim3A_28 : vector<1x1x384xf32> to vector<4x512x384xf32>
    %mul3A_30 = arith.mulf %slice3A_27, %mul3A_29 : vector<4x512x384xf32>
    %reduce_sum3A_31 = arith.constant dense<0.000000e+00> : vector<4x512xf32>
    %reduce_sum3A_32 = vector.multi_reduction <add>, %mul3A_30, %reduce_sum3A_31 [2] : vector<4x512x384xf32> to vector<4x512xf32>
    %add3A_33 = vector.broadcast %mul3A_16 : vector<1x512xf32> to vector<4x512xf32>
    %add3A_34 = arith.addf %reduce_sum3A_32, %add3A_33 : vector<4x512xf32>
    %get3A_35 = arith.constant 0 : index
    %get3A_36 = arith.constant 0 : index
    %get3A_37 = vector.load %arg5[%get3A_35, %get3A_36] : memref<1x512xf32, #tpu.memory_space<vmem>>, vector<1x512xf32>
    %broadcast_in_dim3A_38 = arith.constant 0.000000e+00 : f32
    %broadcast_in_dim3A_39 = vector.broadcast %broadcast_in_dim3A_38 : f32 to vector<7x512xf32>
    %concatenate3A = tpu.concatenate %add3A_26, %add3A_34, %get3A_37, %broadcast_in_dim3A_39 in 0 : vector<4x512xf32>, vector<4x512xf32>, vector<1x512xf32>, vector<7x512xf32> -> vector<16x512xf32>
    %swap3A = arith.constant 0 : index
    %swap3A_40 = arith.constant 0 : index
    %swap3A_41 = vector.load %arg6[%swap3A, %swap3A_40] : memref<16x512xf32, #tpu.memory_space<vmem>>, vector<16x512xf32>
    tpu.vector_store %arg6[%swap3A, %swap3A_40], %concatenate3A {strides = array<i32>} : memref<16x512xf32, #tpu.memory_space<vmem>>, vector<16x512xf32>,
    return
  }
}

</mosaic_0001>

<sc_bundles>
// kernel: kernel.4.cloned.1.call-start
scs
__scs_entry_jumppad:
0x0: {  	(pc) =	sbr.rel $0x88, $3  }
0x1: {  	(tag) =	ssettag $0x0;
	lr =	simm.s32 $0x1  }
0x2: {  	[smem:$0x3F9C] =	sst lr;
	_ =	strace $0xD0000000  }
0x3: {  	_ = 	snop  }
0x4: {  	_ = 	snop  }
0x5: {  	_ = 	snop  }
0x6: {  	_ = 	snop  }
0x7: {  	_ = 	snop  }
__scs_overlays_trampoline_lowered:
0x8: {  	[smem:$0x3FAB] =	sst s0  }
0x9: {  	[smem:$0x3FAC] =	sst s1  }
0xa: {  	[smem:$0x3FAD] =	sst s2  }
0xb: {  	[smem:$0x3FAE] =	sst s3  }
0xc: {  	[smem:$0x3FAF] =	sst s4  }
0xd: {  	[smem:$0x3FB0] =	sst s5  }
0xe: {  	[smem:$0x3FB1] =	sst s6  }
0xf: {  	[smem:$0x3FB2] =	sst s7  }
0x10: {  	[smem:$0x3FB3] =	sst s8  }
0x11: {  	[smem:$0x3FB4] =	sst s9;
	s0 =	simm.s32 @!p0 $0x0  }
0x12: {  	s1 =	sld [smem:$0x3F9A];
	s0 =	simm.s32 @p0 $0x1  }
0x13: {  	[smem:$0x3FB5] =	sst s0;
	s0 =	simm.s32 @!p1 $0x0  }
0x14: {  	s2 =	sld [smem:$0x3F99];
	s0 =	simm.s32 @p1 $0x1  }
0x15: {  	[smem:$0x3FB6] =	sst s0;
	s0 =	simm.s32 @!p2 $0x0  }
0x16: {  	s3 =	sld [smem:$0x3FDB];
	s0 =	simm.s32 @p2 $0x1  }
0x17: {  	s4 =	simm.s32 $0x1BF5;
	[smem:$0x3FB8] =	sst s0  }
0x18: {  	s0 =	sld [smem:$0x3F9B];
	_ =	swait.ge [sflag:s4], $0x0  }
0x19: {  	s7 =	sld [smem:$0x3F9C]  }
0x1a: {  	s8 =	sadd.s32 $0xFFFFE003, lr  }
0x1b: {  	s9 =	sadd.s32 $0xFFFFFEF7, lr;
	s5 =	simm.s32 $0xFFFFFFFF;
	p2 =	slt.u32 s8, $0xFFFFF086  }
0x1c: {  	p1 =	slt.u32 s9, $0xF7A;
	s5 =	simm.s32 @!p2 $0x0  }
0x1d: {  	s5 =	simm.s32 @p1 $0x1;
	p0 =	seq.s32 s7, s2  }
0x1e: {  	s7 =	smul.u32 @!p0 $0xF7A, s2;
	p2 =	seq.s32 @!p0 s5, $0x0  }
0x1f: {  	s9 =	smul.u32 $0xF7A, s1;
	s8 =	simm.s32 @!p0 $0x1BF5;
	p2 =	por !p2, p0  }
0x20: {  	[sflag:s8] =	ssyncset.s32 @!p0 $0xFFFFF086;
	s6 =	sadd.s32 @!p0 s3, s7;
	s7 =	simm.s32 @!p0 $0x108  }
0x21: {  	s3 =	sadd.s32 s3, s9;
	s6 =	sadd.s32 @!p0 $0x88, s6;
	s7 =	simm.s32 @p2 $0x1082  }
0x22: {  	[simem:s7], [sflag:s8] =	dma.local @!p0 [hbm:s6], $0xF7A  }
0x23: {  	s9 =	sor.u32 $0xD0000000, s2;
	s6 =	simm.s32 $0x108;
	_ =	swait.ge @!p0 [sflag:s8], $0x0  }
0x24: {  	s3 =	sadd.s32 $0x88, s3;
	s6 =	simm.s32 @!p1 $0x1082;
	[sflag:s4] =	ssyncset.s32 $0xFFFFF086  }
0x25: {  	[simem:s6], [sflag:s4] =	dma.local [hbm:s3], $0xF7A  }
0x26: {  	[smem:$0x3F9C] =	sst s1;
	(tag) =	ssettag s2;
	_ =	strace s9  }
0x27: {  	s1 =	sld [smem:$0x3FAC]  }
0x28: {  	s2 =	sld [smem:$0x3FAD]  }
0x29: {  	s4 =	sld [smem:$0x3FAF]  }
0x2a: {  	p0 =	seq.s32 s5, $0x0;
	s5 =	sld [smem:$0x3FB0]  }
0x2b: {  	s6 =	sld [smem:$0x3FB1]  }
0x2c: {  	s7 =	sld [smem:$0x3FB2]  }
0x2d: {  	s3 =	simm.s32 $0x108;
	s8 =	sld [smem:$0x3FB3]  }
0x2e: {  	s3 =	simm.s32 @!p0 $0x1082;
	s9 =	sld [smem:$0x3FB4]  }
0x2f: {  	lr =	sadd.s32 s0, s3;
	s0 =	sld [smem:$0x3FAB]  }
0x30: {  	s3 =	sld [smem:$0x3FAE]  }
0x31: {  	[smem:$0x3FB7] =	sst s10  }
0x32: {  	s10 =	sld [smem:$0x3FB5];
	_ =	sdelay $0x3  }
0x33: {  	p0 =	seq.s32 s10, $0x1;
	s10 =	sld [smem:$0x3FB7];
	_ =	sdelay $0x3  }
0x34: {  	[smem:$0x3FB7] =	sst s10  }
0x35: {  	s10 =	sld [smem:$0x3FB6];
	_ =	sdelay $0x3  }
0x36: {  	p1 =	seq.s32 s10, $0x1;
	s10 =	sld [smem:$0x3FB7];
	_ =	sdelay $0x3  }
0x37: {  	[smem:$0x3FB7] =	sst s10  }
0x38: {  	s10 =	sld [smem:$0x3FB8]  }
0x39: {  	_ = 	snop;
	(pc) =	sbr.ind lr, $3  }
0x3a: {  	_ = 	snop  }
0x3b: {  	_ = 	snop  }
0x3c: {  	p2 =	seq.s32 s10, $0x1;
	s10 =	sld [smem:$0x3FB7]  }
0x3d: {  	_ =	shalt  }
0x3e: {  	_ =	shalt  }
0x3f: {  	_ =	shalt  }
0x40: {  	_ =	shalt  }
0x41: {  	_ =	shalt  }
0x42: {  	_ =	shalt  }
0x43: {  	_ =	shalt  }
0x44: {  	_ =	shalt  }
0x45: {  	_ =	shalt  }
0x46: {  	_ =	shalt  }
0x47: {  	_ =	shalt  }
0x48: {  	_ =	shalt  }
0x49: {  	_ =	shalt  }
0x4a: {  	_ =	shalt  }
0x4b: {  	_ =	shalt  }
0x4c: {  	_ =	shalt  }
0x4d: {  	_ =	shalt  }
0x4e: {  	_ =	shalt  }
0x4f: {  	_ =	shalt  }
0x50: {  	_ =	shalt  }
0x51: {  	_ =	shalt  }
0x52: {  	_ =	shalt  }
0x53: {  	_ =	shalt  }
0x54: {  	_ =	shalt  }
0x55: {  	_ =	shalt  }
0x56: {  	_ =	shalt  }
0x57: {  	_ =	shalt  }
0x58: {  	_ =	shalt  }
0x59: {  	_ =	shalt  }
0x5a: {  	_ =	shalt  }
0x5b: {  	_ =	shalt  }
0x5c: {  	_ =	shalt  }
0x5d: {  	_ =	shalt  }
0x5e: {  	_ =	shalt  }
0x5f: {  	_ =	shalt  }
0x60: {  	_ =	shalt  }
0x61: {  	_ =	shalt  }
0x62: {  	_ =	shalt  }
0x63: {  	_ =	shalt  }
0x64: {  	_ =	shalt  }
0x65: {  	_ =	shalt  }
0x66: {  	_ =	shalt  }
0x67: {  	_ =	shalt  }
0x68: {  	_ =	shalt  }
0x69: {  	_ =	shalt  }
0x6a: {  	_ =	shalt  }
0x6b: {  	_ =	shalt  }
0x6c: {  	_ =	shalt  }
0x6d: {  	_ =	shalt  }
0x6e: {  	_ =	shalt  }
0x6f: {  	_ =	shalt  }
0x70: {  	_ =	shalt  }
0x71: {  	_ =	shalt  }
0x72: {  	_ =	shalt  }
0x73: {  	_ =	shalt  }
0x74: {  	_ =	shalt  }
0x75: {  	_ =	shalt  }
0x76: {  	_ =	shalt  }
0x77: {  	_ =	shalt  }
0x78: {  	_ =	shalt  }
0x79: {  	_ =	shalt  }
0x7a: {  	_ =	shalt  }
0x7b: {  	_ =	shalt  }
0x7c: {  	_ =	shalt  }
0x7d: {  	_ =	shalt  }
0x7e: {  	_ =	shalt  }
0x7f: {  	_ =	shalt  }
0x80: {  	_ =	shalt  }
0x81: {  	_ =	shalt  }
0x82: {  	_ =	shalt  }
0x83: {  	_ =	shalt  }
0x84: {  	_ =	shalt  }
0x85: {  	_ =	shalt  }
0x86: {  	_ =	shalt  }
0x87: {  	_ =	shalt  }
.Lfunc_end0:
.L_simem_size_0:
called_computation_lowered:
.L_overlay_start_0:
0x88: {  	s0 =	sld [smem:$0x3FD9]  }
0x89: {  	s1 =	sld [smem:$0x3FFE];
	_ =	sdelay $0x3  }
0x8a: {  	s0 =	sadd.s32 s1, s0  }
0x8b: {  	[smem:$0x3FC3] =	sst s0  }
0x8c: {  	_ = 	snop  }
0x8d: {  	s0 =	sld [smem:$0x3FD0];
	(tm) =	ssettm $0x1  }
0x8e: {  	s16 =	sld [smem:$0x3FFB];
	_ =	sdelay $0x3  }
0x8f: {  	_ =	strace s16  }
0x90: {  	s1 =	sld [smem:$0x3FFC];
	_ =	sdelay $0x3  }
0x91: {  	_ =	strace s1  }
0x92: {  	s1 =	sld [smem:$0x3FFD];
	_ =	sdelay $0x3  }
0x93: {  	_ =	strace s1  }
0x94: {  	_ =	strace $0x8FFFFFFF  }
0x95: {  	s17 =	sld [smem:$0x3FDB];
	_ =	sdelay $0x1  }
0x96: {  	s2 =	simm.s32 $_scs_section_size  }
0x97: {  	s3 =	simm.s32 $_size__tile_overlayer_lowered;
	s4 =	simm.s32 $_tile_overlayer_lowered  }
0x98: {  	s20 =	simm.s32 $0x1BFF;
	s19 =	sshll.u32 s4, $0x1;
	s1 =	sadd.s32 s2, s17  }
0x99: {  	s5 =	simm.s32 $0x0;
	s18 =	sshll.u32 s3, $0x1;
	s3 =	sadd.s32 s19, s1  }
0x9a: {  	[timem:s5], [sflag:s20] =	dma.local [hbm:s3], s18  }
0x9b: {  	_ =	swait.ge [sflag:s20], s18  }
0x9c: {  	s2 =	ssub.s32 $0x0, s18;
	[sflag:s20] =	ssyncset.done $0x0  }
0x9d: {  	[sflag:s20] =	ssyncadd.s32 s2;
	_ =	sdelay $0x1  }
0x9e: {  	s21 =	simm.s32 $0x1B8B  }
0x9f: {  	_ =	swait.ge [sflag:s21], $0x1  }
0xa0: {  	[sflag:s21] =	ssyncset.done $0x0  }
0xa1: {  	s23 =	simm.s32 $0x1B8E;
	s22 =	sld [smem:$0x3FFE];
	[sflag:s21] =	ssyncadd.s32 $0xFFFFFFFF  }
0xa2: {  	s24 =	simm.s32 $execute0_lowered;
	[smem:$0x3FD2] =	sst s23  }
0xa3: {  	s3 =	sshll.u32 s24, $0x1;
	_ =	strace $0x80000046;
	[dreg:$0x1] =	wrdreg $0xFFFFFFFF  }
0xa4: {  	s25 =	simm.s32 $_size_execute0_lowered;
	s1 =	sadd.s32 s1, s3;
	[dreg:$0x0] =	wrdreg $0x0  }
0xa5: {  	s3 =	sshll.u32 s25, $0x1;
	[dreg:$0x2] =	wrdreg s1  }
0xa6: {  	[dreg:$0x3] =	wrdreg s3  }
0xa7: {  	[dreg:$0x4] =	wrdreg $0xC0  }
0xa8: {  	_ =	task [dreg:s5], $0x5FFFF  }
0xa9: {  	[dreg:$0x1] =	wrdreg $0xFFFFFFFF  }
0xaa: {  	[dreg:$0x0] =	wrdreg $0x60  }
0xab: {  	[dreg:$0x2] =	wrdreg s0  }
0xac: {  	[dreg:$0x3] =	wrdreg s22  }
0xad: {  	[dreg:$0x4] =	wrdreg $0x9  }
0xae: {  	_ =	task.clear_ibuf [dreg:s5], $0x5FFFF;
	_ =	strace $0x90000046  }
0xaf: {  	s26 =	simm.s32 $0x9;
	_ =	strace $0x80000048  }
0xb0: {  	_ =	swait.ge [sflag:s26], $0x1  }
0xb1: {  	[sflag:s26] =	ssyncadd.s32 $0xFFFFFFFF  }
0xb2: {  	_ =	strace $0x90000048  }
0xb3: {  	_ =	sfence  }
0xb4: {  	s28 =	sld [smem:$0x0];
	_ =	sdelay $0x1  }
0xb5: {  	s29 =	srdreg.scid  }
0xb6: {  	s30 =	sshll.u32 s29, $0xD;
	s31 =	sshrl.u32 s29, $0x2  }
0xb7: {  	s2 =	sand.u32 $0x4000, s30;
	s1 =	sand.u32 $0x1, s29;
	s0 =	sadd.s32 s31, s28  }
0xb8: {  	s1 =	sor.u32 s2, s1;
	s0 =	sshll.u32 s0, $0x11  }
0xb9: {  	s0 =	sor.u32 s0, s1  }
0xba: {  	s0 =	sadd.s32 $0x8F2B, s0  }
0xbb: {  	[sflag:s0] =	ssyncadd.remote.s32 $0x1  }
0xbc: {  	_ =	sfence.sel $0xFFFF  }
0xbd: {  	[dreg:$0x0] =	wrdreg $0xFFFFFFFF;
	(pc) =	sbr.abs _section_cstart, $3  }
0xbe: {  	[dreg:$0x1] =	wrdreg $0xFFFFFFFF  }
0xbf: {  	_ =	task.clear_ibuf [dreg:s5], $0x2FFFF;
	_ =	strace $0x9FFFFFFF  }
0xc0: {  	(tm) =	ssettm $0x7FFFFFFF  }
0xc1: {  	_ =	shalt  }
tec
execute0_lowered:
.L_overlay_start_1:
0x0: {  	(tag) =	ssettag $0x1  }
0x1: {  	s0 =	stileid.u32  }
0x2: {  	s1 =	sshrl.u32 s0, $0x2;
	s2 =	sand.u32 $0x3, s0  }
0x3: {  	s1 =	sor.u32 $0x4, s1;
	v0 =	vmov s2  }
0x4: {  	v3 =	vlaneseq.u32;
	v1 =	vmov s1;
	v0 =	vshll.u32 v0, $0x7  }
0x5: {  	v12 =	vimm.f32 $0.0e+00;
	v2 =	vshll.u32 v1, $0x7;
	v1 =	vbroadcast v0, $0x0  }
0x6: {  	v0 =	vbroadcast v2, $0x0;
	v2 =	vshrl.u32 v3, $0x3;
	v3 =	vand.u32 $0x7, v3  }
0x7: {  	v4 =	vadd.s32 $0x2, v3;
	v5 =	vadd.s32 $0x4, v3;
	v6 =	vadd.s32 $0x6, v3  }
0x8: {  	s31 =	rddreg [dreg:$0x0];
	v7 =	vor.u32 $0x8, v3;
	v8 =	vadd.s32 $0xA, v3;
	v9 =	vadd.s32 $0xC, v3  }
0x9: {  	s4 =	rddreg [dreg:$0x1];
	s3 =	simm.s32 $0x0;
	v10 =	vadd.s32 $0xE, v3;
	v11 =	vor.u32 $0x10, v3;
	v13 =	vadd.s32 $0x12, v3  }
0xa: {  	[smem:$0x7FF] =	sst s3;
	v14 =	vadd.s32 $0x14, v3;
	v15 =	vadd.s32 $0x16, v3;
	v16 =	vor.u32 $0x18, v3  }
0xb: {  	s5 =	simm.s32 $0x1;
	s1 =	rddreg [dreg:$0x2];
	_ =	strace $0x80000047;
	v17 =	vadd.s32 $0x1A, v3;
	v18 =	vadd.s32 $0x1C, v3;
	v19 =	vadd.s32 $0x1E, v3  }
0xc: {  	[tilespmem:s3], [sflag:$0x1] =	stream.linear.gather [hbm4b:s31+s3], $0x2000, $0x38;
	v20 =	vor.u32 $0x20, v3;
	v21 =	vadd.s32 $0x22, v3;
	v22 =	vadd.s32 $0x24, v3;
	[tilespmem:$0x3000] =	vst v63  }
0xd: {  	_ =	swait.ge [sflag:s5], $0x2000;
	v23 =	vadd.s32 $0x26, v3;
	v24 =	vor.u32 $0x28, v3;
	v25 =	vadd.s32 $0x2A, v3  }
0xe: {  	s6 =	simm.s32 $0x0;
	s2 =	sadd.s32 $0x1000, s4;
	[sflag:s5] =	ssyncset.done $0x0;
	v26 =	vadd.s32 $0x2C, v3;
	v27 =	vadd.s32 $0x2E, v3;
	v28 =	vor.u32 $0x30, v3  }
0xf: {  	s4 =	simm.s32 $0xFFFFFFE4;
	v29 =	vadd.s32 $0x32, v3;
	v30 =	vadd.s32 $0x34, v3;
	v31 =	vadd.s32 $0x36, v3;
	[sflag:s5] =	ssyncadd.s32 $0xFFFFE000;
	s5 =	simm.s32 $0x20E0  }
.LBB2_1:
0x10: {  	v32 =	vshll.u32 v2, $0x3;
	v33 =	vadd.s32 v3, v2  }
0x11: {  	v34 =	vand.u32 $0x7F, v2;
	v32 =	vand.u32 $0xFFFFFC00, v32;
	v35 =	vshll.u32 v33, $0x3  }
0x12: {  	v33 =	vand.u32 $0x7F, v33;
	v32 =	vor.u32 v32, v34;
	v40 =	vand.u32 $0xFFFFFC00, v35  }
0x13: {  	v32 =	vor.u32 v1, v32;
	v33 =	vor.u32 v40, v33  }
0x14: {  	v33 =	vor.u32 v0, v33;
	_ =	sdelay $0x3  }
0x15: {  	v32 =	vld.idx.msk [tilespmem:v32+s3+$0x0], $0xffff  }
0x16: {  	v33 =	vld.idx.msk [tilespmem:v33+s3+$0x0], $0xffff;
	_ =	sdelay $0x4  }
0x17: {  	v32 =	vadd.f32 v33, v32;
	_ =	sdelay $0x1  }
0x18: {  	v32 =	vmul.f32 $1.442695020e+00, v32;
	_ =	sdelay $0x1  }
0x19: {  	(erf) = vpow2.f32 v32;
	_ =	sdelay $0x1  }
0x1a: {  	v41 =	vadd.s32 $0x2, v2  }
0x1b: {  	v43 =	vadd.s32 v4, v2;
	v42 =	vshll.u32 v41, $0x3  }
0x1c: {  	v44 =	vshll.u32 v43, $0x3;
	v33 =	vand.u32 $0xFFFFFC00, v42;
	v32 =	vand.u32 $0x7F, v41  }
0x1d: {  	v45 =	vand.u32 $0x7F, v43;
	v46 =	vand.u32 $0xFFFFFC00, v44;
	v32 =	vor.u32 v33, v32  }
0x1e: {  	v48 =	vor.u32 v46, v45;
	v47 =	vor.u32 v1, v32  }
0x1f: {  	v33 =	vor.u32 v0, v48;
	_ =	sdelay $0x1  }
0x20: {  	v32 =	vpop (erf)  }
0x21: {  	[tilespmem:s5+$0xFFFFFF20] =	vst v32  }
0x22: {  	v49 =	vld.idx.msk [tilespmem:v47+s3+$0x0], $0xffff  }
0x23: {  	v33 =	vld.idx.msk [tilespmem:v33+s3+$0x0], $0xffff;
	_ =	sdelay $0x4  }
0x24: {  	v33 =	vadd.f32 v33, v49;
	_ =	sdelay $0x1  }
0x25: {  	v33 =	vmul.f32 $1.442695020e+00, v33;
	_ =	sdelay $0x1  }
0x26: {  	(erf) = vpow2.f32 v33;
	_ =	sdelay $0x1  }
0x27: {  	v50 =	vadd.s32 $0x4, v2  }
0x28: {  	v52 =	vadd.s32 v5, v2;
	v51 =	vshll.u32 v50, $0x3  }
0x29: {  	v36 =	vshll.u32 v52, $0x3;
	v34 =	vand.u32 $0xFFFFFC00, v51;
	v33 =	vand.u32 $0x7F, v50  }
0x2a: {  	v53 =	vand.u32 $0x7F, v52;
	v54 =	vand.u32 $0xFFFFFC00, v36;
	v33 =	vor.u32 v34, v33  }
0x2b: {  	v56 =	vor.u32 v54, v53;
	v55 =	vor.u32 v1, v33  }
0x2c: {  	v34 =	vor.u32 v0, v56;
	_ =	sdelay $0x1  }
0x2d: {  	v33 =	vpop (erf)  }
0x2e: {  	[tilespmem:s5+$0xFFFFFF30] =	vst v33  }
0x2f: {  	v57 =	vld.idx.msk [tilespmem:v55+s3+$0x0], $0xffff  }
0x30: {  	v34 =	vld.idx.msk [tilespmem:v34+s3+$0x0], $0xffff;
	_ =	sdelay $0x4  }
0x31: {  	v34 =	vadd.f32 v34, v57;
	_ =	sdelay $0x1  }
0x32: {  	v34 =	vmul.f32 $1.442695020e+00, v34;
	_ =	sdelay $0x1  }
0x33: {  	(erf) = vpow2.f32 v34;
	_ =	sdelay $0x1  }
0x34: {  	v58 =	vadd.s32 $0x6, v2  }
0x35: {  	v60 =	vadd.s32 v6, v2;
	v59 =	vshll.u32 v58, $0x3  }
0x36: {  	v37 =	vshll.u32 v60, $0x3;
	v35 =	vand.u32 $0xFFFFFC00, v59;
	v34 =	vand.u32 $0x7F, v58  }
0x37: {  	v61 =	vand.u32 $0x7F, v60;
	v62 =	vand.u32 $0xFFFFFC00, v37;
	v34 =	vor.u32 v35, v34  }
0x38: {  	v40 =	vor.u32 v62, v61;
	v63 =	vor.u32 v1, v34  }
0x39: {  	v35 =	vor.u32 v0, v40;
	_ =	sdelay $0x1  }
0x3a: {  	v34 =	vpop (erf)  }
0x3b: {  	[tilespmem:s5+$0xFFFFFF40] =	vst v34  }
0x3c: {  	v41 =	vld.idx.msk [tilespmem:v63+s3+$0x0], $0xffff  }
0x3d: {  	v35 =	vld.idx.msk [tilespmem:v35+s3+$0x0], $0xffff;
	_ =	sdelay $0x4  }
0x3e: {  	v35 =	vadd.f32 v35, v41;
	_ =	sdelay $0x1  }
0x3f: {  	v35 =	vmul.f32 $1.442695020e+00, v35;
	_ =	sdelay $0x1  }
0x40: {  	(erf) = vpow2.f32 v35;
	_ =	sdelay $0x1  }
0x41: {  	v42 =	vadd.s32 $0x8, v2  }
0x42: {  	v44 =	vadd.s32 v7, v2;
	v43 =	vshll.u32 v42, $0x3  }
0x43: {  	v38 =	vshll.u32 v44, $0x3;
	v36 =	vand.u32 $0xFFFFFC00, v43;
	v35 =	vand.u32 $0x7F, v42  }
0x44: {  	v45 =	vand.u32 $0x7F, v44;
	v46 =	vand.u32 $0xFFFFFC00, v38;
	v35 =	vor.u32 v36, v35  }
0x45: {  	v48 =	vor.u32 v46, v45;
	v47 =	vor.u32 v1, v35  }
0x46: {  	v36 =	vor.u32 v0, v48;
	_ =	sdelay $0x1  }
0x47: {  	v35 =	vpop (erf)  }
0x48: {  	[tilespmem:s5+$0xFFFFFF50] =	vst v35  }
0x49: {  	v49 =	vld.idx.msk [tilespmem:v47+s3+$0x0], $0xffff  }
0x4a: {  	v36 =	vld.idx.msk [tilespmem:v36+s3+$0x0], $0xffff;
	_ =	sdelay $0x4  }
0x4b: {  	v36 =	vadd.f32 v36, v49;
	_ =	sdelay $0x1  }
0x4c: {  	v36 =	vmul.f32 $1.442695020e+00, v36;
	_ =	sdelay $0x1  }
0x4d: {  	(erf) = vpow2.f32 v36;
	_ =	sdelay $0x1  }
0x4e: {  	v50 =	vadd.s32 $0xA, v2  }
0x4f: {  	v52 =	vadd.s32 v8, v2;
	v51 =	vshll.u32 v50, $0x3  }
0x50: {  	v39 =	vshll.u32 v52, $0x3;
	v37 =	vand.u32 $0xFFFFFC00, v51;
	v36 =	vand.u32 $0x7F, v50  }
0x51: {  	v53 =	vand.u32 $0x7F, v52;
	v54 =	vand.u32 $0xFFFFFC00, v39;
	v36 =	vor.u32 v37, v36  }
0x52: {  	v56 =	vor.u32 v54, v53;
	v55 =	vor.u32 v1, v36  }
0x53: {  	v37 =	vor.u32 v0, v56;
	_ =	sdelay $0x1  }
0x54: {  	v36 =	vpop (erf)  }
0x55: {  	[tilespmem:s5+$0xFFFFFF60] =	vst v36  }
0x56: {  	v57 =	vld.idx.msk [tilespmem:v55+s3+$0x0], $0xffff  }
0x57: {  	v37 =	vld.idx.msk [tilespmem:v37+s3+$0x0], $0xffff;
	_ =	sdelay $0x4  }
0x58: {  	v37 =	vadd.f32 v37, v57;
	_ =	sdelay $0x1  }
0x59: {  	v37 =	vmul.f32 $1.442695020e+00, v37;
	_ =	sdelay $0x1  }
0x5a: {  	(erf) = vpow2.f32 v37;
	_ =	sdelay $0x1  }
0x5b: {  	v58 =	vadd.s32 $0xC, v2  }
0x5c: {  	v60 =	vadd.s32 v9, v2;
	v59 =	vshll.u32 v58, $0x3  }
0x5d: {  	v40 =	vshll.u32 v60, $0x3;
	v38 =	vand.u32 $0xFFFFFC00, v59;
	v37 =	vand.u32 $0x7F, v58  }
0x5e: {  	v61 =	vand.u32 $0x7F, v60;
	v62 =	vand.u32 $0xFFFFFC00, v40;
	v37 =	vor.u32 v38, v37  }
0x5f: {  	v43 =	vor.u32 v62, v61;
	v63 =	vor.u32 v1, v37  }
0x60: {  	v38 =	vor.u32 v0, v43;
	_ =	sdelay $0x1  }
0x61: {  	v37 =	vpop (erf)  }
0x62: {  	[tilespmem:s5+$0xFFFFFF70] =	vst v37  }
0x63: {  	v44 =	vld.idx.msk [tilespmem:v63+s3+$0x0], $0xffff  }
0x64: {  	v38 =	vld.idx.msk [tilespmem:v38+s3+$0x0], $0xffff;
	_ =	sdelay $0x4  }
0x65: {  	v38 =	vadd.f32 v38, v44;
	_ =	sdelay $0x1  }
0x66: {  	v38 =	vmul.f32 $1.442695020e+00, v38;
	_ =	sdelay $0x1  }
0x67: {  	(erf) = vpow2.f32 v38;
	_ =	sdelay $0x1  }
0x68: {  	v45 =	vadd.s32 $0xE, v2  }
0x69: {  	v46 =	vshll.u32 v45, $0x3;
	v47 =	vadd.s32 v10, v2  }
0x6a: {  	v39 =	vand.u32 $0xFFFFFC00, v46;
	v41 =	vshll.u32 v47, $0x3;
	v38 =	vand.u32 $0x7F, v45  }
0x6b: {  	v48 =	vand.u32 $0x7F, v47;
	v49 =	vand.u32 $0xFFFFFC00, v41;
	v38 =	vor.u32 v39, v38  }
0x6c: {  	v51 =	vor.u32 v49, v48;
	v50 =	vor.u32 v1, v38  }
0x6d: {  	v39 =	vor.u32 v0, v51;
	_ =	sdelay $0x1  }
0x6e: {  	v38 =	vpop (erf)  }
0x6f: {  	[tilespmem:s5+$0xFFFFFF80] =	vst v38  }
0x70: {  	v52 =	vld.idx.msk [tilespmem:v50+s3+$0x0], $0xffff  }
0x71: {  	v39 =	vld.idx.msk [tilespmem:v39+s3+$0x0], $0xffff;
	_ =	sdelay $0x4  }
0x72: {  	v39 =	vadd.f32 v39, v52;
	_ =	sdelay $0x1  }
0x73: {  	v39 =	vmul.f32 $1.442695020e+00, v39;
	_ =	sdelay $0x1  }
0x74: {  	(erf) = vpow2.f32 v39;
	_ =	sdelay $0x1  }
0x75: {  	v53 =	vadd.s32 $0x10, v2  }
0x76: {  	v54 =	vshll.u32 v53, $0x3;
	v55 =	vadd.s32 v11, v2  }
0x77: {  	v40 =	vand.u32 $0xFFFFFC00, v54;
	v42 =	vshll.u32 v55, $0x3;
	v39 =	vand.u32 $0x7F, v53  }
0x78: {  	v56 =	vand.u32 $0x7F, v55;
	v57 =	vand.u32 $0xFFFFFC00, v42;
	v39 =	vor.u32 v40, v39  }
0x79: {  	v59 =	vor.u32 v57, v56;
	v58 =	vor.u32 v1, v39  }
0x7a: {  	v40 =	vor.u32 v0, v59;
	_ =	sdelay $0x1  }
0x7b: {  	v39 =	vpop (erf)  }
0x7c: {  	[tilespmem:s5+$0xFFFFFF90] =	vst v39  }
0x7d: {  	v60 =	vld.idx.msk [tilespmem:v58+s3+$0x0], $0xffff  }
0x7e: {  	v40 =	vld.idx.msk [tilespmem:v40+s3+$0x0], $0xffff;
	_ =	sdelay $0x4  }
0x7f: {  	v40 =	vadd.f32 v40, v60;
	_ =	sdelay $0x1  }
0x80: {  	v40 =	vmul.f32 $1.442695020e+00, v40;
	_ =	sdelay $0x1  }
0x81: {  	(erf) = vpow2.f32 v40;
	_ =	sdelay $0x1  }
0x82: {  	v61 =	vadd.s32 $0x12, v2  }
0x83: {  	v62 =	vshll.u32 v61, $0x3;
	v63 =	vadd.s32 v13, v2  }
0x84: {  	v41 =	vand.u32 $0xFFFFFC00, v62;
	v43 =	vshll.u32 v63, $0x3;
	v40 =	vand.u32 $0x7F, v61  }
0x85: {  	v46 =	vand.u32 $0xFFFFFC00, v43;
	v45 =	vand.u32 $0x7F, v63;
	v40 =	vor.u32 v41, v40  }
0x86: {  	v48 =	vor.u32 v46, v45;
	v47 =	vor.u32 v1, v40  }
0x87: {  	v41 =	vor.u32 v0, v48;
	_ =	sdelay $0x1  }
0x88: {  	s7 =	sand.u32 $0xFC0, s6;
	v40 =	vpop (erf)  }
0x89: {  	[tilespmem:s7+$0x2080] =	vst v40  }
0x8a: {  	v49 =	vld.idx.msk [tilespmem:v47+s3+$0x0], $0xffff  }
0x8b: {  	v41 =	vld.idx.msk [tilespmem:v41+s3+$0x0], $0xffff;
	_ =	sdelay $0x4  }
0x8c: {  	v41 =	vadd.f32 v41, v49;
	_ =	sdelay $0x1  }
0x8d: {  	v41 =	vmul.f32 $1.442695020e+00, v41;
	_ =	sdelay $0x1  }
0x8e: {  	(erf) = vpow2.f32 v41;
	_ =	sdelay $0x1  }
0x8f: {  	v50 =	vadd.s32 $0x14, v2  }
0x90: {  	v51 =	vshll.u32 v50, $0x3;
	v52 =	vadd.s32 v14, v2  }
0x91: {  	v42 =	vand.u32 $0xFFFFFC00, v51;
	v44 =	vshll.u32 v52, $0x3;
	v41 =	vand.u32 $0x7F, v50  }
0x92: {  	v54 =	vand.u32 $0xFFFFFC00, v44;
	v53 =	vand.u32 $0x7F, v52;
	v41 =	vor.u32 v42, v41  }
0x93: {  	v56 =	vor.u32 v54, v53;
	v55 =	vor.u32 v1, v41  }
0x94: {  	v42 =	vor.u32 v0, v56;
	_ =	sdelay $0x1  }
0x95: {  	v41 =	vpop (erf)  }
0x96: {  	[tilespmem:s5+$0xFFFFFFB0] =	vst v41  }
0x97: {  	v57 =	vld.idx.msk [tilespmem:v55+s3+$0x0], $0xffff  }
0x98: {  	v42 =	vld.idx.msk [tilespmem:v42+s3+$0x0], $0xffff;
	_ =	sdelay $0x4  }
0x99: {  	v42 =	vadd.f32 v42, v57;
	_ =	sdelay $0x1  }
0x9a: {  	v42 =	vmul.f32 $1.442695020e+00, v42;
	_ =	sdelay $0x1  }
0x9b: {  	(erf) = vpow2.f32 v42;
	_ =	sdelay $0x1  }
0x9c: {  	v58 =	vadd.s32 $0x16, v2  }
0x9d: {  	v59 =	vshll.u32 v58, $0x3;
	v60 =	vadd.s32 v15, v2  }
0x9e: {  	v43 =	vand.u32 $0xFFFFFC00, v59;
	v45 =	vshll.u32 v60, $0x3;
	v42 =	vand.u32 $0x7F, v58  }
0x9f: {  	v62 =	vand.u32 $0xFFFFFC00, v45;
	v61 =	vand.u32 $0x7F, v60;
	v42 =	vor.u32 v43, v42  }
0xa0: {  	v48 =	vor.u32 v62, v61;
	v63 =	vor.u32 v1, v42  }
0xa1: {  	v43 =	vor.u32 v0, v48;
	_ =	sdelay $0x1  }
0xa2: {  	v42 =	vpop (erf)  }
0xa3: {  	[tilespmem:s5+$0xFFFFFFC0] =	vst v42  }
0xa4: {  	v49 =	vld.idx.msk [tilespmem:v63+s3+$0x0], $0xffff  }
0xa5: {  	v43 =	vld.idx.msk [tilespmem:v43+s3+$0x0], $0xffff;
	_ =	sdelay $0x4  }
0xa6: {  	v43 =	vadd.f32 v43, v49;
	_ =	sdelay $0x1  }
0xa7: {  	v43 =	vmul.f32 $1.442695020e+00, v43;
	_ =	sdelay $0x1  }
0xa8: {  	(erf) = vpow2.f32 v43;
	_ =	sdelay $0x1  }
0xa9: {  	v50 =	vadd.s32 $0x18, v2  }
0xaa: {  	v52 =	vadd.s32 v16, v2;
	v51 =	vshll.u32 v50, $0x3  }
0xab: {  	v46 =	vshll.u32 v52, $0x3;
	v44 =	vand.u32 $0xFFFFFC00, v51;
	v43 =	vand.u32 $0x7F, v50  }
0xac: {  	v53 =	vand.u32 $0x7F, v52;
	v54 =	vand.u32 $0xFFFFFC00, v46;
	v43 =	vor.u32 v44, v43  }
0xad: {  	v56 =	vor.u32 v54, v53;
	v55 =	vor.u32 v1, v43  }
0xae: {  	v44 =	vor.u32 v0, v56;
	_ =	sdelay $0x1  }
0xaf: {  	v43 =	vpop (erf)  }
0xb0: {  	[tilespmem:s5+$0xFFFFFFD0] =	vst v43  }
0xb1: {  	v57 =	vld.idx.msk [tilespmem:v55+s3+$0x0], $0xffff  }
0xb2: {  	v44 =	vld.idx.msk [tilespmem:v44+s3+$0x0], $0xffff;
	_ =	sdelay $0x4  }
0xb3: {  	v44 =	vadd.f32 v44, v57;
	_ =	sdelay $0x1  }
0xb4: {  	v44 =	vmul.f32 $1.442695020e+00, v44;
	_ =	sdelay $0x1  }
0xb5: {  	(erf) = vpow2.f32 v44;
	_ =	sdelay $0x1  }
0xb6: {  	v58 =	vadd.s32 $0x1A, v2  }
0xb7: {  	v60 =	vadd.s32 v17, v2;
	v59 =	vshll.u32 v58, $0x3  }
0xb8: {  	v47 =	vshll.u32 v60, $0x3;
	v45 =	vand.u32 $0xFFFFFC00, v59;
	v44 =	vand.u32 $0x7F, v58  }
0xb9: {  	v61 =	vand.u32 $0x7F, v60;
	v62 =	vand.u32 $0xFFFFFC00, v47;
	v44 =	vor.u32 v45, v44  }
0xba: {  	v48 =	vor.u32 v62, v61;
	v63 =	vor.u32 v1, v44  }
0xbb: {  	v45 =	vor.u32 v0, v48;
	_ =	sdelay $0x1  }
0xbc: {  	v44 =	vpop (erf)  }
0xbd: {  	[tilespmem:s5+$0xFFFFFFE0] =	vst v44  }
0xbe: {  	v49 =	vld.idx.msk [tilespmem:v63+s3+$0x0], $0xffff  }
0xbf: {  	v45 =	vld.idx.msk [tilespmem:v45+s3+$0x0], $0xffff;
	_ =	sdelay $0x4  }
0xc0: {  	v45 =	vadd.f32 v45, v49;
	_ =	sdelay $0x1  }
0xc1: {  	v45 =	vmul.f32 $1.442695020e+00, v45;
	_ =	sdelay $0x1  }
0xc2: {  	(erf) = vpow2.f32 v45;
	_ =	sdelay $0x1  }
0xc3: {  	v50 =	vadd.s32 $0x1C, v2  }
0xc4: {  	v52 =	vadd.s32 v18, v2;
	v51 =	vshll.u32 v50, $0x3  }
0xc5: {  	v46 =	vand.u32 $0xFFFFFC00, v51;
	v48 =	vshll.u32 v52, $0x3;
	v45 =	vand.u32 $0x7F, v50  }
0xc6: {  	v53 =	vand.u32 $0x7F, v52;
	v54 =	vand.u32 $0xFFFFFC00, v48;
	v45 =	vor.u32 v46, v45  }
0xc7: {  	v56 =	vor.u32 v54, v53;
	v55 =	vor.u32 v1, v45  }
0xc8: {  	v46 =	vor.u32 v0, v56;
	_ =	sdelay $0x1  }
0xc9: {  	v45 =	vpop (erf)  }
0xca: {  	[tilespmem:s5+$0xFFFFFFF0] =	vst v45  }
0xcb: {  	v57 =	vld.idx.msk [tilespmem:v55+s3+$0x0], $0xffff  }
0xcc: {  	v46 =	vld.idx.msk [tilespmem:v46+s3+$0x0], $0xffff;
	_ =	sdelay $0x4  }
0xcd: {  	v46 =	vadd.f32 v46, v57;
	_ =	sdelay $0x1  }
0xce: {  	v46 =	vmul.f32 $1.442695020e+00, v46;
	_ =	sdelay $0x1  }
0xcf: {  	(erf) = vpow2.f32 v46;
	_ =	sdelay $0x1  }
0xd0: {  	v58 =	vadd.s32 $0x1E, v2  }
0xd1: {  	v60 =	vadd.s32 v19, v2;
	v59 =	vshll.u32 v58, $0x3  }
0xd2: {  	v47 =	vand.u32 $0xFFFFFC00, v59;
	v49 =	vshll.u32 v60, $0x3;
	v46 =	vand.u32 $0x7F, v58  }
0xd3: {  	v61 =	vand.u32 $0x7F, v60;
	v62 =	vand.u32 $0xFFFFFC00, v49;
	v46 =	vor.u32 v47, v46  }
0xd4: {  	v51 =	vor.u32 v62, v61;
	v63 =	vor.u32 v1, v46  }
0xd5: {  	v47 =	vor.u32 v0, v51;
	_ =	sdelay $0x1  }
0xd6: {  	v46 =	vpop (erf)  }
0xd7: {  	[tilespmem:s5+$0x0] =	vst v46  }
0xd8: {  	v52 =	vld.idx.msk [tilespmem:v63+s3+$0x0], $0xffff  }
0xd9: {  	v47 =	vld.idx.msk [tilespmem:v47+s3+$0x0], $0xffff;
	_ =	sdelay $0x4  }
0xda: {  	v47 =	vadd.f32 v47, v52;
	_ =	sdelay $0x1  }
0xdb: {  	v47 =	vmul.f32 $1.442695020e+00, v47;
	_ =	sdelay $0x1  }
0xdc: {  	(erf) = vpow2.f32 v47;
	_ =	sdelay $0x1  }
0xdd: {  	v53 =	vadd.s32 $0x20, v2  }
0xde: {  	v54 =	vshll.u32 v53, $0x3;
	v55 =	vadd.s32 v20, v2  }
0xdf: {  	v48 =	vand.u32 $0xFFFFFC00, v54;
	v50 =	vshll.u32 v55, $0x3;
	v47 =	vand.u32 $0x7F, v53  }
0xe0: {  	v56 =	vand.u32 $0x7F, v55;
	v57 =	vand.u32 $0xFFFFFC00, v50;
	v47 =	vor.u32 v48, v47  }
0xe1: {  	v59 =	vor.u32 v57, v56;
	v58 =	vor.u32 v1, v47  }
0xe2: {  	v48 =	vor.u32 v0, v59;
	_ =	sdelay $0x1  }
0xe3: {  	v47 =	vpop (erf)  }
0xe4: {  	[tilespmem:s5+$0x10] =	vst v47  }
0xe5: {  	v60 =	vld.idx.msk [tilespmem:v58+s3+$0x0], $0xffff  }
0xe6: {  	v48 =	vld.idx.msk [tilespmem:v48+s3+$0x0], $0xffff;
	_ =	sdelay $0x4  }
0xe7: {  	v48 =	vadd.f32 v48, v60;
	_ =	sdelay $0x1  }
0xe8: {  	v48 =	vmul.f32 $1.442695020e+00, v48;
	_ =	sdelay $0x1  }
0xe9: {  	(erf) = vpow2.f32 v48;
	_ =	sdelay $0x1  }
0xea: {  	v61 =	vadd.s32 $0x22, v2  }
0xeb: {  	v62 =	vshll.u32 v61, $0x3;
	v63 =	vadd.s32 v21, v2  }
0xec: {  	v49 =	vand.u32 $0xFFFFFC00, v62;
	v51 =	vshll.u32 v63, $0x3;
	v48 =	vand.u32 $0x7F, v61  }
0xed: {  	v54 =	vand.u32 $0x7F, v63;
	v55 =	vand.u32 $0xFFFFFC00, v51;
	v48 =	vor.u32 v49, v48  }
0xee: {  	v57 =	vor.u32 v55, v54;
	v56 =	vor.u32 v1, v48  }
0xef: {  	v49 =	vor.u32 v0, v57;
	_ =	sdelay $0x1  }
0xf0: {  	v48 =	vpop (erf)  }
0xf1: {  	[tilespmem:s7+$0x2100] =	vst v48  }
0xf2: {  	v58 =	vld.idx.msk [tilespmem:v56+s3+$0x0], $0xffff  }
0xf3: {  	v49 =	vld.idx.msk [tilespmem:v49+s3+$0x0], $0xffff;
	_ =	sdelay $0x4  }
0xf4: {  	v49 =	vadd.f32 v49, v58;
	_ =	sdelay $0x1  }
0xf5: {  	v49 =	vmul.f32 $1.442695020e+00, v49;
	_ =	sdelay $0x1  }
0xf6: {  	(erf) = vpow2.f32 v49;
	_ =	sdelay $0x1  }
0xf7: {  	v59 =	vadd.s32 $0x24, v2  }
0xf8: {  	v60 =	vshll.u32 v59, $0x3;
	v61 =	vadd.s32 v22, v2  }
0xf9: {  	v50 =	vand.u32 $0xFFFFFC00, v60;
	v52 =	vshll.u32 v61, $0x3;
	v49 =	vand.u32 $0x7F, v59  }
0xfa: {  	v62 =	vand.u32 $0x7F, v61;
	v63 =	vand.u32 $0xFFFFFC00, v52;
	v49 =	vor.u32 v50, v49  }
0xfb: {  	v57 =	vor.u32 v63, v62;
	v56 =	vor.u32 v1, v49  }
0xfc: {  	v50 =	vor.u32 v0, v57;
	_ =	sdelay $0x1  }
0xfd: {  	v49 =	vpop (erf)  }
0xfe: {  	[tilespmem:s5+$0x30] =	vst v49  }
0xff: {  	v58 =	vld.idx.msk [tilespmem:v56+s3+$0x0], $0xffff  }
0x100: {  	v50 =	vld.idx.msk [tilespmem:v50+s3+$0x0], $0xffff;
	_ =	sdelay $0x4  }
0x101: {  	v50 =	vadd.f32 v50, v58;
	_ =	sdelay $0x1  }
0x102: {  	v50 =	vmul.f32 $1.442695020e+00, v50;
	_ =	sdelay $0x1  }
0x103: {  	(erf) = vpow2.f32 v50;
	_ =	sdelay $0x1  }
0x104: {  	v59 =	vadd.s32 $0x26, v2  }
0x105: {  	v61 =	vadd.s32 v23, v2;
	v60 =	vshll.u32 v59, $0x3  }
0x106: {  	v53 =	vshll.u32 v61, $0x3;
	v51 =	vand.u32 $0xFFFFFC00, v60;
	v50 =	vand.u32 $0x7F, v59  }
0x107: {  	v62 =	vand.u32 $0x7F, v61;
	v63 =	vand.u32 $0xFFFFFC00, v53;
	v50 =	vor.u32 v51, v50  }
0x108: {  	v57 =	vor.u32 v63, v62;
	v56 =	vor.u32 v1, v50  }
0x109: {  	v51 =	vor.u32 v0, v57;
	_ =	sdelay $0x1  }
0x10a: {  	v50 =	vpop (erf)  }
0x10b: {  	[tilespmem:s5+$0x40] =	vst v50  }
0x10c: {  	v58 =	vld.idx.msk [tilespmem:v56+s3+$0x0], $0xffff  }
0x10d: {  	v51 =	vld.idx.msk [tilespmem:v51+s3+$0x0], $0xffff;
	_ =	sdelay $0x4  }
0x10e: {  	v51 =	vadd.f32 v51, v58;
	_ =	sdelay $0x1  }
0x10f: {  	v51 =	vmul.f32 $1.442695020e+00, v51;
	_ =	sdelay $0x1  }
0x110: {  	(erf) = vpow2.f32 v51;
	_ =	sdelay $0x1  }
0x111: {  	v59 =	vadd.s32 $0x28, v2  }
0x112: {  	v61 =	vadd.s32 v24, v2;
	v60 =	vshll.u32 v59, $0x3  }
0x113: {  	v54 =	vshll.u32 v61, $0x3;
	v52 =	vand.u32 $0xFFFFFC00, v60;
	v51 =	vand.u32 $0x7F, v59  }
0x114: {  	v62 =	vand.u32 $0x7F, v61;
	v63 =	vand.u32 $0xFFFFFC00, v54;
	v51 =	vor.u32 v52, v51  }
0x115: {  	v58 =	vor.u32 v63, v62;
	v57 =	vor.u32 v1, v51  }
0x116: {  	v52 =	vor.u32 v0, v58;
	_ =	sdelay $0x1  }
0x117: {  	v51 =	vpop (erf)  }
0x118: {  	[tilespmem:s5+$0x50] =	vst v51  }
0x119: {  	v59 =	vld.idx.msk [tilespmem:v57+s3+$0x0], $0xffff  }
0x11a: {  	v52 =	vld.idx.msk [tilespmem:v52+s3+$0x0], $0xffff;
	_ =	sdelay $0x4  }
0x11b: {  	v52 =	vadd.f32 v52, v59;
	_ =	sdelay $0x1  }
0x11c: {  	v52 =	vmul.f32 $1.442695020e+00, v52;
	_ =	sdelay $0x1  }
0x11d: {  	(erf) = vpow2.f32 v52;
	_ =	sdelay $0x1  }
0x11e: {  	v60 =	vadd.s32 $0x2A, v2  }
0x11f: {  	v61 =	vshll.u32 v60, $0x3;
	v62 =	vadd.s32 v25, v2  }
0x120: {  	v53 =	vand.u32 $0xFFFFFC00, v61;
	v55 =	vshll.u32 v62, $0x3;
	v52 =	vand.u32 $0x7F, v60  }
0x121: {  	v63 =	vand.u32 $0x7F, v62;
	v57 =	vand.u32 $0xFFFFFC00, v55;
	v52 =	vor.u32 v53, v52  }
0x122: {  	v59 =	vor.u32 v57, v63;
	v58 =	vor.u32 v1, v52  }
0x123: {  	v53 =	vor.u32 v0, v59;
	_ =	sdelay $0x1  }
0x124: {  	v52 =	vpop (erf)  }
0x125: {  	[tilespmem:s5+$0x60] =	vst v52  }
0x126: {  	v60 =	vld.idx.msk [tilespmem:v58+s3+$0x0], $0xffff  }
0x127: {  	v53 =	vld.idx.msk [tilespmem:v53+s3+$0x0], $0xffff;
	_ =	sdelay $0x4  }
0x128: {  	v53 =	vadd.f32 v53, v60;
	_ =	sdelay $0x1  }
0x129: {  	v53 =	vmul.f32 $1.442695020e+00, v53;
	_ =	sdelay $0x1  }
0x12a: {  	(erf) = vpow2.f32 v53;
	_ =	sdelay $0x1  }
0x12b: {  	v61 =	vadd.s32 $0x2C, v2  }
0x12c: {  	v62 =	vshll.u32 v61, $0x3;
	v63 =	vadd.s32 v26, v2  }
0x12d: {  	v54 =	vand.u32 $0xFFFFFC00, v62;
	v56 =	vshll.u32 v63, $0x3;
	v53 =	vand.u32 $0x7F, v61  }
0x12e: {  	v59 =	vand.u32 $0x7F, v63;
	v60 =	vand.u32 $0xFFFFFC00, v56;
	v53 =	vor.u32 v54, v53  }
0x12f: {  	v54 =	vor.u32 v60, v59;
	v53 =	vor.u32 v1, v53  }
0x130: {  	v54 =	vor.u32 v0, v54;
	_ =	sdelay $0x1  }
0x131: {  	v55 =	vpop (erf)  }
0x132: {  	[tilespmem:s5+$0x70] =	vst v55  }
0x133: {  	v53 =	vld.idx.msk [tilespmem:v53+s3+$0x0], $0xffff  }
0x134: {  	v54 =	vld.idx.msk [tilespmem:v54+s3+$0x0], $0xffff;
	_ =	sdelay $0x4  }
0x135: {  	v53 =	vadd.f32 v54, v53;
	_ =	sdelay $0x1  }
0x136: {  	v53 =	vmul.f32 $1.442695020e+00, v53;
	_ =	sdelay $0x1  }
0x137: {  	(erf) = vpow2.f32 v53;
	_ =	sdelay $0x1  }
0x138: {  	v61 =	vadd.s32 $0x2E, v2  }
0x139: {  	v63 =	vadd.s32 v27, v2;
	v62 =	vshll.u32 v61, $0x3  }
0x13a: {  	v57 =	vshll.u32 v63, $0x3;
	v54 =	vand.u32 $0xFFFFFC00, v62;
	v53 =	vand.u32 $0x7F, v61  }
0x13b: {  	v60 =	vand.u32 $0x7F, v63;
	v61 =	vand.u32 $0xFFFFFC00, v57;
	v53 =	vor.u32 v54, v53  }
0x13c: {  	v54 =	vor.u32 v61, v60;
	v53 =	vor.u32 v1, v53  }
0x13d: {  	v54 =	vor.u32 v0, v54;
	_ =	sdelay $0x1  }
0x13e: {  	v56 =	vpop (erf)  }
0x13f: {  	[tilespmem:s5+$0x80] =	vst v56  }
0x140: {  	v53 =	vld.idx.msk [tilespmem:v53+s3+$0x0], $0xffff  }
0x141: {  	v54 =	vld.idx.msk [tilespmem:v54+s3+$0x0], $0xffff;
	_ =	sdelay $0x4  }
0x142: {  	v53 =	vadd.f32 v54, v53;
	_ =	sdelay $0x1  }
0x143: {  	v53 =	vmul.f32 $1.442695020e+00, v53;
	_ =	sdelay $0x1  }
0x144: {  	(erf) = vpow2.f32 v53;
	_ =	sdelay $0x1  }
0x145: {  	v62 =	vadd.s32 $0x30, v2  }
0x146: {  	v63 =	vshll.u32 v62, $0x3;
	v60 =	vadd.s32 v28, v2  }
0x147: {  	v58 =	vshll.u32 v60, $0x3;
	v54 =	vand.u32 $0xFFFFFC00, v63;
	v53 =	vand.u32 $0x7F, v62  }
0x148: {  	v61 =	vand.u32 $0x7F, v60;
	v62 =	vand.u32 $0xFFFFFC00, v58;
	v53 =	vor.u32 v54, v53  }
0x149: {  	v54 =	vor.u32 v62, v61;
	v53 =	vor.u32 v1, v53  }
0x14a: {  	v54 =	vor.u32 v0, v54;
	_ =	sdelay $0x1  }
0x14b: {  	v57 =	vpop (erf)  }
0x14c: {  	[tilespmem:s5+$0x90] =	vst v57  }
0x14d: {  	v53 =	vld.idx.msk [tilespmem:v53+s3+$0x0], $0xffff  }
0x14e: {  	v54 =	vld.idx.msk [tilespmem:v54+s3+$0x0], $0xffff;
	_ =	sdelay $0x4  }
0x14f: {  	v53 =	vadd.f32 v54, v53;
	_ =	sdelay $0x1  }
0x150: {  	v53 =	vmul.f32 $1.442695020e+00, v53;
	_ =	sdelay $0x1  }
0x151: {  	(erf) = vpow2.f32 v53;
	_ =	sdelay $0x1  }
0x152: {  	v63 =	vadd.s32 $0x32, v2  }
0x153: {  	v60 =	vshll.u32 v63, $0x3;
	v61 =	vadd.s32 v29, v2  }
0x154: {  	v59 =	vshll.u32 v61, $0x3;
	v54 =	vand.u32 $0xFFFFFC00, v60;
	v53 =	vand.u32 $0x7F, v63  }
0x155: {  	v62 =	vand.u32 $0x7F, v61;
	v63 =	vand.u32 $0xFFFFFC00, v59;
	v53 =	vor.u32 v54, v53  }
0x156: {  	v54 =	vor.u32 v63, v62;
	v53 =	vor.u32 v1, v53  }
0x157: {  	v54 =	vor.u32 v0, v54;
	_ =	sdelay $0x1  }
0x158: {  	v58 =	vpop (erf)  }
0x159: {  	[tilespmem:s7+$0x2180] =	vst v58  }
0x15a: {  	v53 =	vld.idx.msk [tilespmem:v53+s3+$0x0], $0xffff  }
0x15b: {  	v54 =	vld.idx.msk [tilespmem:v54+s3+$0x0], $0xffff;
	_ =	sdelay $0x3  }
0x15c: {  	v12 =	vadd.f32 v32, v12  }
0x15d: {  	v53 =	vadd.f32 v54, v53  }
0x15e: {  	v12 =	vadd.f32 v33, v12  }
0x15f: {  	v53 =	vmul.f32 $1.442695020e+00, v53  }
0x160: {  	v12 =	vadd.f32 v34, v12  }
0x161: {  	(erf) = vpow2.f32 v53  }
0x162: {  	v12 =	vadd.f32 v35, v12  }
0x163: {  	v54 =	vadd.s32 $0x34, v2  }
0x164: {  	v12 =	vadd.f32 v36, v12;
	v60 =	vadd.s32 v30, v2;
	v59 =	vshll.u32 v54, $0x3  }
0x165: {  	v61 =	vshll.u32 v60, $0x3;
	v32 =	vand.u32 $0x7F, v54;
	v33 =	vand.u32 $0xFFFFFC00, v59  }
0x166: {  	v62 =	vand.u32 $0x7F, v60;
	v63 =	vand.u32 $0xFFFFFC00, v61;
	v32 =	vor.u32 v33, v32  }
0x167: {  	v12 =	vadd.f32 v37, v12;
	v33 =	vor.u32 v63, v62;
	v32 =	vor.u32 v1, v32  }
0x168: {  	v33 =	vor.u32 v0, v33  }
0x169: {  	v12 =	vadd.f32 v38, v12  }
0x16a: {  	v34 =	vpop (erf)  }
0x16b: {  	v12 =	vadd.f32 v39, v12;
	[tilespmem:s5+$0xB0] =	vst v34  }
0x16c: {  	v32 =	vld.idx.msk [tilespmem:v32+s3+$0x0], $0xffff  }
0x16d: {  	v12 =	vadd.f32 v40, v12;
	v33 =	vld.idx.msk [tilespmem:v33+s3+$0x0], $0xffff;
	_ =	sdelay $0x1  }
0x16e: {  	v12 =	vadd.f32 v41, v12;
	_ =	sdelay $0x1  }
0x16f: {  	v12 =	vadd.f32 v42, v12  }
0x170: {  	v32 =	vadd.f32 v33, v32  }
0x171: {  	v12 =	vadd.f32 v43, v12  }
0x172: {  	v32 =	vmul.f32 $1.442695020e+00, v32  }
0x173: {  	v12 =	vadd.f32 v44, v12  }
0x174: {  	(erf) = vpow2.f32 v32  }
0x175: {  	v12 =	vadd.f32 v45, v12  }
0x176: {  	v53 =	vadd.s32 $0x36, v2  }
0x177: {  	v12 =	vadd.f32 v46, v12;
	v59 =	vadd.s32 v31, v2;
	v54 =	vshll.u32 v53, $0x3  }
0x178: {  	v60 =	vshll.u32 v59, $0x3;
	v33 =	vand.u32 $0xFFFFFC00, v54;
	v32 =	vand.u32 $0x7F, v53  }
0x179: {  	v61 =	vand.u32 $0x7F, v59;
	v62 =	vand.u32 $0xFFFFFC00, v60;
	v32 =	vor.u32 v33, v32  }
0x17a: {  	v33 =	vor.u32 v62, v61;
	v32 =	vor.u32 v1, v32  }
0x17b: {  	v12 =	vadd.f32 v47, v12;
	v33 =	vor.u32 v0, v33;
	_ =	sdelay $0x1  }
0x17c: {  	v12 =	vadd.f32 v48, v12;
	v63 =	vpop (erf)  }
0x17d: {  	[tilespmem:s5+$0xC0] =	vst v63  }
0x17e: {  	v12 =	vadd.f32 v49, v12;
	v32 =	vld.idx.msk [tilespmem:v32+s3+$0x0], $0xffff  }
0x17f: {  	v33 =	vld.idx.msk [tilespmem:v33+s3+$0x0], $0xffff  }
0x180: {  	v12 =	vadd.f32 v50, v12;
	_ =	sdelay $0x1  }
0x181: {  	v12 =	vadd.f32 v51, v12;
	_ =	sdelay $0x1  }
0x182: {  	v12 =	vadd.f32 v52, v12;
	v32 =	vadd.f32 v33, v32;
	_ =	sdelay $0x1  }
0x183: {  	v12 =	vadd.f32 v55, v12;
	v32 =	vmul.f32 $1.442695020e+00, v32;
	_ =	sdelay $0x1  }
0x184: {  	v12 =	vadd.f32 v56, v12;
	(erf) = vpow2.f32 v32;
	_ =	sdelay $0x1  }
0x185: {  	v12 =	vadd.f32 v57, v12;
	_ =	sdelay $0x1  }
0x186: {  	s4 =	sadd.s32 $0x1C, s4;
	v12 =	vadd.f32 v58, v12  }
0x187: {  	p0 =	slt.u32 s4, $0xE0  }
.Ltmp0:
0x188: {  	v12 =	vadd.f32 v34, v12;
	(pc) =	sbr.rel @p0 .LBB2_1-.Ltmp0, $4  }
0x189: {  	_ = 	snop  }
0x18a: {  	v12 =	vadd.f32 v63, v12  }
0x18b: {  	v32 =	vpop (erf)  }
0x18c: {  	s6 =	sadd.s32 $0x1C0, s6;
	v2 =	vadd.s32 $0x38, v2;
	[tilespmem:s5+$0xD0] =	vst v32;
	v12 =	vadd.f32 v32, v12;
	s5 =	sadd.s32 $0x1C0, s5  }
0x18d: {  	v2 =	vld [tilespmem:$0x1000]  }
0x18e: {  	v3 =	vld [tilespmem:$0x1030];
	_ =	sdelay $0x3  }
0x18f: {  	v4 =	vshll.u32 v2, $0x3  }
0x190: {  	v2 =	vand.u32 $0x7F, v2;
	v5 =	vshll.u32 v3, $0x3;
	v4 =	vand.u32 $0xFFFFFC00, v4  }
0x191: {  	v3 =	vand.u32 $0x7F, v3;
	v2 =	vor.u32 v4, v2;
	v4 =	vand.u32 $0xFFFFFC00, v5  }
0x192: {  	v2 =	vor.u32 v1, v2;
	v3 =	vor.u32 v4, v3  }
0x193: {  	v3 =	vor.u32 v0, v3;
	_ =	sdelay $0x2  }
0x194: {  	s3 =	simm.s32 $0x0  }
0x195: {  	v2 =	vld.idx.msk [tilespmem:v2+s3+$0x0], $0xffff  }
0x196: {  	v3 =	vld.idx.msk [tilespmem:v3+s3+$0x0], $0xffff;
	_ =	sdelay $0x4  }
0x197: {  	v2 =	vadd.f32 v3, v2;
	_ =	sdelay $0x1  }
0x198: {  	v3 =	vld [tilespmem:$0x1010];
	v2 =	vmul.f32 $1.442695020e+00, v2  }
0x199: {  	v4 =	vld [tilespmem:$0x1040]  }
0x19a: {  	(erf) = vpow2.f32 v2;
	_ =	sdelay $0x2  }
0x19b: {  	v2 =	vshll.u32 v3, $0x3  }
0x19c: {  	v5 =	vshll.u32 v4, $0x3;
	v3 =	vand.u32 $0x7F, v3;
	v2 =	vand.u32 $0xFFFFFC00, v2  }
0x19d: {  	v2 =	vor.u32 v2, v3;
	v3 =	vand.u32 $0x7F, v4;
	v4 =	vand.u32 $0xFFFFFC00, v5  }
0x19e: {  	v2 =	vor.u32 v1, v2;
	v3 =	vor.u32 v4, v3  }
0x19f: {  	v3 =	vor.u32 v0, v3;
	_ =	sdelay $0x1  }
0x1a0: {  	v4 =	vpop (erf)  }
0x1a1: {  	[tilespmem:$0x2FC0] =	vst v4  }
0x1a2: {  	v2 =	vld.idx.msk [tilespmem:v2+s3+$0x0], $0xffff  }
0x1a3: {  	v3 =	vld.idx.msk [tilespmem:v3+s3+$0x0], $0xffff;
	_ =	sdelay $0x4  }
0x1a4: {  	v2 =	vadd.f32 v3, v2;
	_ =	sdelay $0x1  }
0x1a5: {  	v3 =	vld [tilespmem:$0x1020];
	v2 =	vmul.f32 $1.442695020e+00, v2  }
0x1a6: {  	v5 =	vld [tilespmem:$0x1050]  }
0x1a7: {  	(erf) = vpow2.f32 v2;
	_ =	sdelay $0x2  }
0x1a8: {  	v2 =	vshll.u32 v3, $0x3  }
0x1a9: {  	v6 =	vshll.u32 v5, $0x3;
	v3 =	vand.u32 $0x7F, v3;
	v2 =	vand.u32 $0xFFFFFC00, v2  }
0x1aa: {  	v2 =	vor.u32 v2, v3;
	v3 =	vand.u32 $0x7F, v5;
	v5 =	vand.u32 $0xFFFFFC00, v6  }
0x1ab: {  	v1 =	vor.u32 v1, v2;
	v2 =	vor.u32 v5, v3  }
0x1ac: {  	v0 =	vor.u32 v0, v2;
	_ =	sdelay $0x1  }
0x1ad: {  	v2 =	vpop (erf)  }
0x1ae: {  	[tilespmem:$0x2FD0] =	vst v2  }
0x1af: {  	v1 =	vld.idx.msk [tilespmem:v1+s3+$0x0], $0xffff  }
0x1b0: {  	v0 =	vld.idx.msk [tilespmem:v0+s3+$0x0], $0xffff;
	_ =	sdelay $0x4  }
0x1b1: {  	v0 =	vadd.f32 v0, v1;
	_ =	sdelay $0x1  }
0x1b2: {  	v0 =	vmul.f32 $1.442695020e+00, v0;
	_ =	sdelay $0x1  }
0x1b3: {  	(erf) = vpow2.f32 v0;
	_ =	sdelay $0x6  }
0x1b4: {  	v0 =	vadd.f32 v4, v12;
	_ =	sdelay $0x1  }
0x1b5: {  	vm0 =	vmmov $0xf;
	v0 =	vadd.f32 v2, v0;
	v1 =	vpop (erf)  }
0x1b6: {  	v1 =	vnsel vm0, $0x0, v1  }
0x1b7: {  	v0 =	vadd.f32 v1, v0;
	_ =	sdelay $0x1  }
0x1b8: {  	(xrf2) =	vadd.scan.msk.f32 $0xffff, v0;
	_ =	sdelay $0x9  }
0x1b9: {  	v0, _, _ =	vpop (xrf2)  }
0x1ba: {  	v0 =	vbroadcast v0, $0xF;
	_ =	sdelay $0x1  }
0x1bb: {  	(erf) = vrcp.f32 v0;
	_ =	sdelay $0x3  }
0x1bc: {  	s4 =	simm.s32 $0x2070;
	[tilespmem:$0x2FE0] =	vst v1  }
0x1bd: {  	v1 =	vld [tilespmem:s4+$0xFFFFFF90]  }
0x1be: {  	v2 =	vld [tilespmem:s4+$0x0]  }
0x1bf: {  	v3 =	vld [tilespmem:s4+$0xFFFFFFF0]  }
0x1c0: {  	v4 =	vld [tilespmem:s4+$0xFFFFFFE0]  }
0x1c1: {  	v5 =	vld [tilespmem:s4+$0xFFFFFFD0];
	v0 =	vpop (erf)  }
0x1c2: {  	v6 =	vld [tilespmem:s4+$0xFFFFFFC0];
	v1 =	vmul.f32 v1, v0  }
0x1c3: {  	v7 =	vld [tilespmem:s4+$0xFFFFFFB0];
	v2 =	vmul.f32 v2, v0  }
0x1c4: {  	v3 =	vmul.f32 v3, v0;
	[tilespmem:s4+$0xFFFFFF90] =	vst v1;
	v1 =	vld [tilespmem:s4+$0xFFFFFFA0]  }
0x1c5: {  	v4 =	vmul.f32 v4, v0;
	[tilespmem:s4+$0x0] =	vst v2  }
0x1c6: {  	v2 =	vmul.f32 v5, v0;
	[tilespmem:s4+$0xFFFFFFF0] =	vst v3  }
0x1c7: {  	v3 =	vmul.f32 v6, v0;
	[tilespmem:s4+$0xFFFFFFE0] =	vst v4  }
0x1c8: {  	v4 =	vmul.f32 v7, v0;
	[tilespmem:s4+$0xFFFFFFD0] =	vst v2  }
0x1c9: {  	[tilespmem:s4+$0xFFFFFFC0] =	vst v3;
	v1 =	vmul.f32 v1, v0  }
0x1ca: {  	[tilespmem:s4+$0xFFFFFFB0] =	vst v4  }
0x1cb: {  	s5 =	sand.u32 $0xFF0, s3;
	[tilespmem:s4+$0xFFFFFFA0] =	vst v1  }
0x1cc: {  	v1 =	vld [tilespmem:s5+$0x2080];
	_ =	sdelay $0x4  }
0x1cd: {  	v1 =	vmul.f32 v1, v0;
	_ =	sdelay $0x1  }
0x1ce: {  	[tilespmem:s5+$0x2080] =	vst v1  }
0x1cf: {  	v5 =	vld [tilespmem:s4+$0x70]  }
0x1d0: {  	v7 =	vld [tilespmem:s4+$0x30]  }
0x1d1: {  	v4 =	vld [tilespmem:s4+$0x60]  }
0x1d2: {  	v3 =	vld [tilespmem:s4+$0x50]  }
0x1d3: {  	v2 =	vld [tilespmem:s4+$0x40]  }
0x1d4: {  	v1 =	vld [tilespmem:s4+$0x20];
	v6 =	vmul.f32 v5, v0  }
0x1d5: {  	s6 =	simm.s32 $0x2160;
	s5 =	simm.s32 $0x0;
	v5 =	vmul.f32 v7, v0  }
.LBB2_3:
0x1d6: {  	v7 =	vld [tilespmem:s6+$0xFFFFFF90];
	s5 =	sadd.s32 $0xF, s5;
	v4 =	vmul.f32 v4, v0;
	[tilespmem:s4+$0x70] =	vst v6;
	s3 =	sadd.s32 $0xF0, s3  }
0x1d7: {  	v6 =	vld [tilespmem:s6+$0x0];
	p0 =	slt.u32 s5, $0xF0;
	[tilespmem:s4+$0x30] =	vst v5;
	v3 =	vmul.f32 v3, v0  }
0x1d8: {  	v5 =	vld [tilespmem:s6+$0xFFFFFFF0];
	v2 =	vmul.f32 v2, v0;
	[tilespmem:s4+$0x60] =	vst v4  }
0x1d9: {  	v4 =	vld [tilespmem:s6+$0xFFFFFFE0];
	v1 =	vmul.f32 v1, v0;
	[tilespmem:s4+$0x50] =	vst v3  }
0x1da: {  	v3 =	vld [tilespmem:s6+$0xFFFFFFD0];
	[tilespmem:s4+$0x40] =	vst v2  }
0x1db: {  	v2 =	vmul.f32 v7, v0;
	v7 =	vld [tilespmem:s6+$0xFFFFFFC0];
	[tilespmem:s4+$0x20] =	vst v1;
	s4 =	smov.u32 s6  }
0x1dc: {  	v1 =	vld [tilespmem:s6+$0xFFFFFFB0];
	v6 =	vmul.f32 v6, v0  }
0x1dd: {  	[tilespmem:s6+$0xFFFFFF90] =	vst v2;
	v2 =	vld [tilespmem:s6+$0xFFFFFFA0];
	v5 =	vmul.f32 v5, v0  }
0x1de: {  	v4 =	vmul.f32 v4, v0;
	[tilespmem:s6+$0x0] =	vst v6  }
0x1df: {  	v3 =	vmul.f32 v3, v0;
	[tilespmem:s6+$0xFFFFFFF0] =	vst v5  }
0x1e0: {  	v5 =	vmul.f32 v7, v0;
	[tilespmem:s6+$0xFFFFFFE0] =	vst v4  }
0x1e1: {  	v1 =	vmul.f32 v1, v0;
	[tilespmem:s6+$0xFFFFFFD0] =	vst v3  }
0x1e2: {  	v2 =	vmul.f32 v2, v0;
	[tilespmem:s6+$0xFFFFFFC0] =	vst v5  }
0x1e3: {  	[tilespmem:s6+$0xFFFFFFB0] =	vst v1  }
0x1e4: {  	s7 =	sand.u32 $0xFF0, s3;
	[tilespmem:s6+$0xFFFFFFA0] =	vst v2  }
0x1e5: {  	v1 =	vld [tilespmem:s7+$0x2080];
	_ =	sdelay $0x4  }
0x1e6: {  	v1 =	vmul.f32 v1, v0;
	_ =	sdelay $0x1  }
0x1e7: {  	[tilespmem:s7+$0x2080] =	vst v1  }
0x1e8: {  	v5 =	vld [tilespmem:s6+$0x70]  }
0x1e9: {  	v7 =	vld [tilespmem:s6+$0x30]  }
.Ltmp1:
0x1ea: {  	v4 =	vld [tilespmem:s6+$0x60];
	(pc) =	sbr.rel @p0 .LBB2_3-.Ltmp1, $4  }
0x1eb: {  	v3 =	vld [tilespmem:s6+$0x50]  }
0x1ec: {  	v2 =	vld [tilespmem:s6+$0x40]  }
0x1ed: {  	v1 =	vld [tilespmem:s6+$0x20];
	v6 =	vmul.f32 v5, v0  }
0x1ee: {  	s6 =	sadd.s32 $0xF0, s6;
	v5 =	vmul.f32 v7, v0  }
0x1ef: {  	v4 =	vmul.f32 v4, v0;
	[tilespmem:s4+$0x70] =	vst v6  }
0x1f0: {  	[tilespmem:s4+$0x30] =	vst v5;
	v3 =	vmul.f32 v3, v0  }
0x1f1: {  	s3 =	sshll.u32 s0, $0x4;
	v2 =	vmul.f32 v2, v0;
	[tilespmem:s4+$0x60] =	vst v4  }
0x1f2: {  	s5 =	sshll.u32 s0, $0x9;
	s28 =	simm.s32 $0x80;
	s3 =	sand.u32 $0x70, s3;
	v63 =	vmul.f32 v1, v0;
	[tilespmem:s4+$0x50] =	vst v3  }
0x1f3: {  	s29 =	simm.s32 $0x400;
	s5 =	sand.u32 $0x1000, s5;
	s2 =	sadd.s32 s2, s3;
	[tilespmem:s4+$0x40] =	vst v2  }
0x1f4: {  	s30 =	simm.s32 $0x2000;
	s31 =	simm.s32 $0x1;
	s2 =	sadd.s32 s5, s2;
	[tilespmem:s4+$0x20] =	vst v63  }
0x1f5: {  	[hbm4b:s2+s28] =	stream.strided.scatter [tilespmem:s30], [sflag:$0x1], $0x1000, s29, s28, $0x38;
	[tilespmem:$0x3000] =	vst v63  }
0x1f6: {  	_ =	swait.ge [sflag:s31], $0x1000  }
0x1f7: {  	[sflag:s31] =	ssyncset.done $0x0  }
0x1f8: {  	[sflag:s31] =	ssyncadd.s32 $0xFFFFF000  }
0x1f9: {  	_ =	sfence.sel $0x180000  }
0x1fa: {  	[bflag:$0x0] =	sbarrier.arrive $0xFFFF  }
0x1fb: {  	p0 =	sne.s32 s0, $0x0;
	_ =	strace $0x90000047  }
0x1fc: {  	s0 =	sadd.s32 @!p0 $0x100000, s1;
	[bflag:$0x2] =	sbarrier.arrive $0xFFFF  }
0x1fd: {  	[sflag:s0] =	ssyncadd.tile.s32 @!p0 $0x1;
	_ =	shalt  }
.Lfunc_end2:
_tile_overlayer_lowered:
.L_overlay_start_2:
0x1fe: {  	(tag) =	ssettag $0x2  }
0x1ff: {  	s0 =	rddreg [dreg:$0x0];
	s2 =	stileid.u32  }
0x200: {  	s1 =	rddreg [dreg:$0x1];
	p0 =	sne.s32 s2, $0x0  }
0x201: {  	s3 =	rddreg [dreg:$0x2];
	[bflag:$0x3] =	sbarrier.arrive $0xFFFF;
	s2 =	simm.s32 @!p0 $0x1C01  }
0x202: {  	[timem:s3], [sflag:s2] =	dma.local @!p0 [hbm:s0], s1  }
0x203: {  	s0 =	simm.s32 @!p0 $0x1  }
0x204: {  	_ =	swait.ge @!p0 [sflag:s0], s1  }
0x205: {  	s1 =	ssub.s32 @!p0 $0x0, s1;
	[sflag:s0] =	ssyncset.done @!p0 $0x0  }
0x206: {  	[sflag:s0] =	ssyncadd.s32 @!p0 s1  }
0x207: {  	[bflag:$0x3] =	sbarrier.arrive $0xFFFF  }
0x208: {  	_ =	shalt  }

</sc_bundles>
